<compile_context>
chip_gen: v7x
topology: tpu7x:2x2x1
jax: 0.10.2.dev20260603
libtpu: 0.0.44.dev20260713+nightly
codegen_flags: <defaults>
</compile_context>

<pallas_src>
import functools

import jax
import jax.numpy as jnp
import numpy as np
from jax import lax
from jax.experimental import pallas as pl
from jax.experimental.pallas import tpu as pltpu
from jax.experimental.pallas import tpu_sc as plsc

_N_FINE = 100000
_NQ = 4096
_NG = 8192
_NW = 32
_WPT = 65536


def _sc_body(qr_h, qs_h, gtr_h, gts_h, ov_h, cnt_h,
             qr_v, qs_v, gr_v, gs_v, ov_v, map_v, acc_v,
             sem0, sem1, sem2, sem3, sem4):
    cid = lax.axis_index("c")
    sid = lax.axis_index("s")
    wid = sid * 2 + cid

    cqr = pltpu.async_copy(qr_h, qr_v, sem0)
    cqs = pltpu.async_copy(qs_h, qs_v, sem1)
    cgr = pltpu.async_copy(gtr_h, gr_v, sem2)
    cgs = pltpu.async_copy(gts_h, gs_v, sem3)
    cov = pltpu.async_copy(ov_h, ov_v, sem4)

    zeros16 = jnp.zeros((16,), jnp.int32)
    one16 = jnp.full((16,), 1, jnp.int32)

    def _codes(rv, sv, i):
        r = rv[pl.ds(i, 16)]
        s = sv[pl.ds(i, 16)]
        code = r * 2048 + s
        own = lax.shift_right_logical(code, 17) == wid
        local = jnp.bitwise_and(lax.shift_right_logical(code, 1), 65535)
        return code, own, local

    cqr.wait()
    cqs.wait()

    @plsc.parallel_loop(0, _NQ, step=16, unroll=8)
    def _zero_q(i):
        _, own, local = _codes(qr_v, qs_v, i)
        plsc.store_scatter(map_v, [local], zeros16, mask=own)

    cgr.wait()
    cgs.wait()
    cov.wait()

    @plsc.parallel_loop(0, _NG, step=16, unroll=8)
    def _add_gt(i):
        code, own, local = _codes(gr_v, gs_v, i)
        o = ov_v[pl.ds(i, 16)]
        mask = jnp.logical_and(own, o > 0.0)
        val = lax.shift_left(one16, lax.shift_left(jnp.bitwise_and(code, 1), 4))
        plsc.addupdate_scatter(map_v, [local], val, mask=mask)

    @plsc.parallel_loop(0, _NQ, step=16, unroll=8,
                        carry=jnp.zeros((16,), jnp.float32))
    def _gather_q(i, acc):
        code, own, local = _codes(qr_v, qs_v, i)
        v = plsc.load_gather(map_v, [local], mask=own)
        half = jnp.bitwise_and(
            lax.shift_right_logical(v, lax.shift_left(jnp.bitwise_and(code, 1), 4)),
            65535)
        hit = jnp.logical_and(own, half > 0)
        return acc + jnp.where(hit, 1.0, 0.0).astype(jnp.float32)

    acc_v[...] = _gather_q
    pltpu.sync_copy(acc_v, cnt_h.at[pl.ds(wid * 16, 16)])


_sc_coarse = functools.partial(
    pl.kernel,
    out_type=jax.ShapeDtypeStruct((_NW * 16,), jnp.float32),
    mesh=plsc.VectorSubcoreMesh(core_axis_name="c", subcore_axis_name="s"),
    compiler_params=pltpu.CompilerParams(needs_layout_passes=False),
    scratch_types=[
        pltpu.VMEM((_NQ,), jnp.int32),
        pltpu.VMEM((_NQ,), jnp.int32),
        pltpu.VMEM((_NG,), jnp.int32),
        pltpu.VMEM((_NG,), jnp.int32),
        pltpu.VMEM((_NG,), jnp.float32),
        pltpu.VMEM((_WPT,), jnp.int32),
        pltpu.VMEM((16,), jnp.float32),
        pltpu.SemaphoreType.DMA,
        pltpu.SemaphoreType.DMA,
        pltpu.SemaphoreType.DMA,
        pltpu.SemaphoreType.DMA,
        pltpu.SemaphoreType.DMA,
    ],
)(_sc_body)


def _euler_atan2_args(t_ref, et_ref, acc_num, acc_den):
    lane = jax.lax.broadcasted_iota(jnp.int32, (1, 128), 1)
    for base, ref in ((0, t_ref), (3, et_ref)):
        r00 = ref[0, 0]
        r10 = ref[1, 0]
        r20 = ref[2, 0]
        r21 = ref[2, 1]
        r22 = ref[2, 2]
        sy = jnp.sqrt(r00 * r00 + r10 * r10)
        acc_num = jnp.where(lane == base + 0, r21, acc_num)
        acc_den = jnp.where(lane == base + 0, r22, acc_den)
        acc_num = jnp.where(lane == base + 1, -r20, acc_num)
        acc_den = jnp.where(lane == base + 1, sy, acc_den)
        acc_num = jnp.where(lane == base + 2, r10, acc_num)
        acc_den = jnp.where(lane == base + 2, r00, acc_den)
    return acc_num, acc_den


def _tc_body(ref_f, src_f, cc_ref, t_ref, et_ref, out_ref):
    rx = ref_f[0:1, :]
    ry = ref_f[1:2, :]
    rz = ref_f[2:3, :]
    sx = src_f[0:1, :]
    sy_ = src_f[1:2, :]
    sz = src_f[2:3, :]
    dx = rx - (t_ref[0, 0] * sx + t_ref[0, 1] * sy_ + t_ref[0, 2] * sz + t_ref[0, 3])
    dy = ry - (t_ref[1, 0] * sx + t_ref[1, 1] * sy_ + t_ref[1, 2] * sz + t_ref[1, 3])
    dz = rz - (t_ref[2, 0] * sx + t_ref[2, 1] * sy_ + t_ref[2, 2] * sz + t_ref[2, 3])
    d2 = dx * dx + dy * dy + dz * dz
    f_count = jnp.sum(jnp.where(d2 < 0.01, 1.0, 0.0))
    f_precision = f_count * (1.0 / _N_FINE)

    c_precision = jnp.sum(cc_ref[...]) * (1.0 / _NQ)

    num, den = _euler_atan2_args(t_ref, et_ref,
                                 jnp.zeros((1, 128), jnp.float32),
                                 jnp.ones((1, 128), jnp.float32))
    e = jnp.arctan2(num, den) * np.float32(180.0 / np.pi)
    lane = jax.lax.broadcasted_iota(jnp.int32, (1, 128), 1)
    e_est_shift = jnp.where(lane < 3, jnp.roll(e, -3, axis=1), 0.0)
    d_e = jnp.where(lane < 3, e - e_est_shift, 0.0)
    r_mse = jnp.sum(d_e * d_e) * (1.0 / 3.0)
    r_mae = jnp.sum(jnp.abs(d_e)) * (1.0 / 3.0)
    dt0 = t_ref[0, 3] - et_ref[0, 3]
    dt1 = t_ref[1, 3] - et_ref[1, 3]
    dt2 = t_ref[2, 3] - et_ref[2, 3]
    t_mse = (dt0 * dt0 + dt1 * dt1 + dt2 * dt2) * (1.0 / 3.0)
    t_mae = (jnp.abs(dt0) + jnp.abs(dt1) + jnp.abs(dt2)) * (1.0 / 3.0)

    out = jnp.zeros((1, 128), jnp.float32)
    out = jnp.where(lane == 0, c_precision, out)
    out = jnp.where(lane == 1, f_precision, out)
    out = jnp.where(lane == 2, r_mse, out)
    out = jnp.where(lane == 3, r_mae, out)
    out = jnp.where(lane == 4, t_mse, out)
    out = jnp.where(lane == 5, t_mae, out)
    out_ref[...] = out


def kernel(ref_points_c, src_points_c, gt_node_corr_overlaps,
           gt_node_corr_indices, ref_node_corr_indices, src_node_corr_indices,
           ref_corr_points, src_corr_points, transform, estimated_transform):
    del ref_points_c, src_points_c

    cnt = _sc_coarse(
        ref_node_corr_indices.astype(jnp.int32),
        src_node_corr_indices.astype(jnp.int32),
        gt_node_corr_indices[:, 0].astype(jnp.int32),
        gt_node_corr_indices[:, 1].astype(jnp.int32),
        gt_node_corr_overlaps,
    )
    cc = cnt.reshape(4, 128)
    ref_f = ref_corr_points.T
    src_f = src_corr_points.T

    smem_spec = pl.BlockSpec(memory_space=pltpu.SMEM)
    vmem_spec = pl.BlockSpec(memory_space=pltpu.VMEM)
    out = pl.pallas_call(
        _tc_body,
        out_shape=jax.ShapeDtypeStruct((1, 128), jnp.float32),
        in_specs=[vmem_spec, vmem_spec, vmem_spec, smem_spec, smem_spec],
        out_specs=vmem_spec,
    )(ref_f, src_f, cc, transform, estimated_transform)
    return out[0, 0:6]

# --- scband reference (transcript-rebuilt; emitter-appended) ---
"""Pipeline reference for scband-evaluator-17145509445920 (READ-ONLY COPY).

The authoritative reference and input builder live on the scoring server;
editing this copy changes nothing except your own understanding.
"""

import jax, jax.numpy as jnp
import numpy as np

ACCEPTANCE_OVERLAP = 0.0
ACCEPTANCE_RADIUS = 0.1


def apply_transform(points, transform):
    R = transform[:3, :3]
    t = transform[:3, 3]
    return points @ R.T + t


def rotation_to_euler_deg(R):
    sy = jnp.sqrt(R[..., 0, 0] ** 2 + R[..., 1, 0] ** 2)
    x = jnp.arctan2(R[..., 2, 1], R[..., 2, 2])
    y = jnp.arctan2(-R[..., 2, 0], sy)
    z = jnp.arctan2(R[..., 1, 0], R[..., 0, 0])
    return jnp.stack([x, y, z], axis=-1) * (180.0 / np.pi)


def anisotropic_transform_error(gt_transforms, transforms):
    gt_t = gt_transforms[..., :3, 3]
    t = transforms[..., :3, 3]
    gt_e = rotation_to_euler_deg(gt_transforms[..., :3, :3])
    e = rotation_to_euler_deg(transforms[..., :3, :3])
    r_mse = jnp.mean((e - gt_e) ** 2, axis=-1)
    r_mae = jnp.mean(jnp.abs(e - gt_e), axis=-1)
    t_mse = jnp.mean((t - gt_t) ** 2, axis=-1)
    t_mae = jnp.mean(jnp.abs(t - gt_t), axis=-1)
    return r_mse, r_mae, t_mse, t_mae


def setup_inputs(seed: int = 0) -> dict:
    key = jax.random.key(seed)
    ks = jax.random.split(key, 10)
    return {
        "ref_points_c": jax.random.normal(ks[0], (2048, 3), dtype=jnp.float32),
        "src_points_c": jax.random.normal(ks[1], (2048, 3), dtype=jnp.float32),
        "gt_node_corr_overlaps": jax.random.uniform(ks[2], (8192,), dtype=jnp.float32),
        "gt_node_corr_indices": jax.random.randint(ks[3], (8192, 2), 0, 2048, dtype=jnp.int64) if jax.config.jax_enable_x64 else jax.random.randint(ks[3], (8192, 2), 0, 2048).astype(jnp.int32),
        "ref_node_corr_indices": jax.random.randint(ks[4], (4096,), 0, 2048).astype(jnp.int32),
        "src_node_corr_indices": jax.random.randint(ks[5], (4096,), 0, 2048).astype(jnp.int32),
        "ref_corr_points": jax.random.normal(ks[6], (100000, 3), dtype=jnp.float32),
        "src_corr_points": jax.random.normal(ks[7], (100000, 3), dtype=jnp.float32),
        "transform": jax.random.normal(ks[8], (4, 4), dtype=jnp.float32),
        "estimated_transform": jax.random.normal(ks[9], (4, 4), dtype=jnp.float32),
    }


def reference(ref_points_c, src_points_c, gt_node_corr_overlaps, gt_node_corr_indices,
              ref_node_corr_indices, src_node_corr_indices, ref_corr_points,
              src_corr_points, transform, estimated_transform):
    ref_length_c = ref_points_c.shape[0]
    src_length_c = src_points_c.shape[0]
    # coarse precision (PIR): filter gt correspondences by overlap, scatter into map, gather at predictions
    mask = (gt_node_corr_overlaps > ACCEPTANCE_OVERLAP).astype(jnp.float32)
    gt_node_corr_map = jnp.zeros((ref_length_c, src_length_c), dtype=jnp.float32)
    gt_node_corr_map = gt_node_corr_map.at[gt_node_corr_indices[:, 0], gt_node_corr_indices[:, 1]].max(mask)
    c_precision = gt_node_corr_map[ref_node_corr_indices, src_node_corr_indices].mean()
    # fine precision (IR)
    src_t = apply_transform(src_corr_points, transform)
    corr_distances = jnp.linalg.norm(ref_corr_points - src_t, axis=1)
    f_precision = (corr_distances < ACCEPTANCE_RADIUS).astype(jnp.float32).mean()
    # registration errors
    r_mse, r_mae, t_mse, t_mae = anisotropic_transform_error(transform[None], estimated_transform[None])
    return jnp.stack([c_precision, f_precision, r_mse[0], r_mae[0], t_mse[0], t_mae[0]])

if __name__ == "__main__":
    import jax
    _d = setup_inputs()
    print(jax.jit(kernel)(*tuple(_d.values())))

</pallas_src>

<mosaic_0001>
#map = affine_map<(d0, d1) -> (0)>
module attributes {stable_mosaic.version = 14 : i64} {
  func.func @_sc_body(%arg0: i32, %arg1: i32, %arg2: memref<4096xi32, #tpu.memory_space<hbm>>, %arg3: memref<4096xi32, #tpu.memory_space<hbm>>, %arg4: memref<8192xi32, #tpu.memory_space<hbm>>, %arg5: memref<8192xi32, #tpu.memory_space<hbm>>, %arg6: memref<8192xf32, #tpu.memory_space<hbm>>, %arg7: memref<512xf32, #tpu.memory_space<hbm>>, %arg8: memref<4096xi32, #tpu.memory_space<vmem>>, %arg9: memref<4096xi32, #tpu.memory_space<vmem>>, %arg10: memref<8192xi32, #tpu.memory_space<vmem>>, %arg11: memref<8192xi32, #tpu.memory_space<vmem>>, %arg12: memref<8192xf32, #tpu.memory_space<vmem>>, %arg13: memref<65536xi32, #tpu.memory_space<vmem>>, %arg14: memref<16xf32, #tpu.memory_space<vmem>>, %arg15: memref<!tpu.dma_semaphore, #tpu.memory_space<semaphore_mem>>, %arg16: memref<!tpu.dma_semaphore, #tpu.memory_space<semaphore_mem>>, %arg17: memref<!tpu.dma_semaphore, #tpu.memory_space<semaphore_mem>>, %arg18: memref<!tpu.dma_semaphore, #tpu.memory_space<semaphore_mem>>, %arg19: memref<!tpu.dma_semaphore, #tpu.memory_space<semaphore_mem>>) attributes {dimension_semantics = [#tpu.dimension_semantics<core_parallel>, #tpu.dimension_semantics<subcore_parallel>], iteration_bounds = array<i64: 2, 16>, scalar_prefetch = 0 : i64, scratch_operands = 12 : i64, tpu.core_type = #tpu.core_type<sc_vector_subcore>, window_params = [{transform_indices = #map}, {transform_indices = #map}, {transform_indices = #map}, {transform_indices = #map}, {transform_indices = #map}, {transform_indices = #map}]} {
    %mul3A = arith.constant 2 : i32
    %mul3A_0 = arith.muli %arg1, %mul3A : i32
    %add3A = arith.addi %mul3A_0, %arg0 : i32
    tpu.enqueue_dma source(%arg2 : memref<4096xi32, #tpu.memory_space<hbm>>) target(%arg8 : memref<4096xi32, #tpu.memory_space<vmem>>) target_semaphore(%arg15 : memref<!tpu.dma_semaphore, #tpu.memory_space<semaphore_mem>>)
    tpu.enqueue_dma source(%arg3 : memref<4096xi32, #tpu.memory_space<hbm>>) target(%arg9 : memref<4096xi32, #tpu.memory_space<vmem>>) target_semaphore(%arg16 : memref<!tpu.dma_semaphore, #tpu.memory_space<semaphore_mem>>)
    tpu.enqueue_dma source(%arg4 : memref<8192xi32, #tpu.memory_space<hbm>>) target(%arg10 : memref<8192xi32, #tpu.memory_space<vmem>>) target_semaphore(%arg17 : memref<!tpu.dma_semaphore, #tpu.memory_space<semaphore_mem>>)
    tpu.enqueue_dma source(%arg5 : memref<8192xi32, #tpu.memory_space<hbm>>) target(%arg11 : memref<8192xi32, #tpu.memory_space<vmem>>) target_semaphore(%arg18 : memref<!tpu.dma_semaphore, #tpu.memory_space<semaphore_mem>>)
    tpu.enqueue_dma source(%arg6 : memref<8192xf32, #tpu.memory_space<hbm>>) target(%arg12 : memref<8192xf32, #tpu.memory_space<vmem>>) target_semaphore(%arg19 : memref<!tpu.dma_semaphore, #tpu.memory_space<semaphore_mem>>)
    %broadcast_in_dim3A = arith.constant 0 : i32
    %broadcast_in_dim3A_1 = vector.broadcast %broadcast_in_dim3A : i32 to vector<16xi32>
    %broadcast_in_dim3A_2 = arith.constant 1 : i32
    %broadcast_in_dim3A_3 = vector.broadcast %broadcast_in_dim3A_2 : i32 to vector<16xi32>
    tpu.wait_dma2 semaphore(%arg15 : memref<!tpu.dma_semaphore, #tpu.memory_space<semaphore_mem>>) src(%arg2 : memref<4096xi32, #tpu.memory_space<hbm>>) dst(%arg8 : memref<4096xi32, #tpu.memory_space<vmem>>)
    tpu.wait_dma2 semaphore(%arg16 : memref<!tpu.dma_semaphore, #tpu.memory_space<semaphore_mem>>) src(%arg3 : memref<4096xi32, #tpu.memory_space<hbm>>) dst(%arg9 : memref<4096xi32, #tpu.memory_space<vmem>>)
    %parallel_loop3A = arith.constant 0 : i32
    %parallel_loop3A_4 = arith.constant 4096 : i32
    %parallel_loop3A_5 = arith.constant 16 : i32
    scf.for %parallel_loop3A_18 = %parallel_loop3A to %parallel_loop3A_4 step %parallel_loop3A_5  : i32 {
      %parallel_loop3A_19 = arith.index_cast %parallel_loop3A_18 : i32 to index
      %parallel_loop3A_20 = tpu.vector_load %arg8[%parallel_loop3A_19] {strides = array<i32>} : memref<4096xi32, #tpu.memory_space<vmem>>, vector<16xi32>,
      %parallel_loop3A_21 = arith.index_cast %parallel_loop3A_18 : i32 to index
      %parallel_loop3A_22 = tpu.vector_load %arg9[%parallel_loop3A_21] {strides = array<i32>} : memref<4096xi32, #tpu.memory_space<vmem>>, vector<16xi32>,
      %parallel_loop3A_23 = arith.constant 2048 : i32
      %parallel_loop3A_24 = vector.broadcast %parallel_loop3A_23 : i32 to vector<16xi32>
      %parallel_loop3A_25 = arith.muli %parallel_loop3A_20, %parallel_loop3A_24 : vector<16xi32>
      %parallel_loop3A_26 = arith.addi %parallel_loop3A_25, %parallel_loop3A_22 : vector<16xi32>
      %parallel_loop3A_27 = arith.constant 17 : i32
      %parallel_loop3A_28 = vector.broadcast %parallel_loop3A_27 : i32 to vector<16xi32>
      %parallel_loop3A_29 = arith.shrui %parallel_loop3A_26, %parallel_loop3A_28 : vector<16xi32>
      %parallel_loop3A_30 = vector.broadcast %add3A : i32 to vector<16xi32>
      %parallel_loop3A_31 = arith.cmpi eq, %parallel_loop3A_29, %parallel_loop3A_30 : vector<16xi32>
      %parallel_loop3A_32 = arith.constant 1 : i32
      %parallel_loop3A_33 = vector.broadcast %parallel_loop3A_32 : i32 to vector<16xi32>
      %parallel_loop3A_34 = arith.shrui %parallel_loop3A_26, %parallel_loop3A_33 : vector<16xi32>
      %parallel_loop3A_35 = arith.constant 65535 : i32
      %parallel_loop3A_36 = vector.broadcast %parallel_loop3A_35 : i32 to vector<16xi32>
      %parallel_loop3A_37 = arith.andi %parallel_loop3A_34, %parallel_loop3A_36 : vector<16xi32>
      tpu.vector_store_idx %arg13[%parallel_loop3A_37], %broadcast_in_dim3A_1 masked %parallel_loop3A_31 : memref<65536xi32, #tpu.memory_space<vmem>>[vector<16xi32>], vector<16xi32>, vector<16xi1>
    } {sc.loop_unroll_factor = 8 : i64, sc.parallel_access}
    tpu.wait_dma2 semaphore(%arg17 : memref<!tpu.dma_semaphore, #tpu.memory_space<semaphore_mem>>) src(%arg4 : memref<8192xi32, #tpu.memory_space<hbm>>) dst(%arg10 : memref<8192xi32, #tpu.memory_space<vmem>>)
    tpu.wait_dma2 semaphore(%arg18 : memref<!tpu.dma_semaphore, #tpu.memory_space<semaphore_mem>>) src(%arg5 : memref<8192xi32, #tpu.memory_space<hbm>>) dst(%arg11 : memref<8192xi32, #tpu.memory_space<vmem>>)
    tpu.wait_dma2 semaphore(%arg19 : memref<!tpu.dma_semaphore, #tpu.memory_space<semaphore_mem>>) src(%arg6 : memref<8192xf32, #tpu.memory_space<hbm>>) dst(%arg12 : memref<8192xf32, #tpu.memory_space<vmem>>)
    %parallel_loop3A_6 = arith.constant 0 : i32
    %parallel_loop3A_7 = arith.constant 8192 : i32
    %parallel_loop3A_8 = arith.constant 16 : i32
    scf.for %parallel_loop3A_18 = %parallel_loop3A_6 to %parallel_loop3A_7 step %parallel_loop3A_8  : i32 {
      %parallel_loop3A_19 = arith.index_cast %parallel_loop3A_18 : i32 to index
      %parallel_loop3A_20 = tpu.vector_load %arg10[%parallel_loop3A_19] {strides = array<i32>} : memref<8192xi32, #tpu.memory_space<vmem>>, vector<16xi32>,
      %parallel_loop3A_21 = arith.index_cast %parallel_loop3A_18 : i32 to index
      %parallel_loop3A_22 = tpu.vector_load %arg11[%parallel_loop3A_21] {strides = array<i32>} : memref<8192xi32, #tpu.memory_space<vmem>>, vector<16xi32>,
      %parallel_loop3A_23 = arith.constant 2048 : i32
      %parallel_loop3A_24 = vector.broadcast %parallel_loop3A_23 : i32 to vector<16xi32>
      %parallel_loop3A_25 = arith.muli %parallel_loop3A_20, %parallel_loop3A_24 : vector<16xi32>
      %parallel_loop3A_26 = arith.addi %parallel_loop3A_25, %parallel_loop3A_22 : vector<16xi32>
      %parallel_loop3A_27 = arith.constant 17 : i32
      %parallel_loop3A_28 = vector.broadcast %parallel_loop3A_27 : i32 to vector<16xi32>
      %parallel_loop3A_29 = arith.shrui %parallel_loop3A_26, %parallel_loop3A_28 : vector<16xi32>
      %parallel_loop3A_30 = vector.broadcast %add3A : i32 to vector<16xi32>
      %parallel_loop3A_31 = arith.cmpi eq, %parallel_loop3A_29, %parallel_loop3A_30 : vector<16xi32>
      %parallel_loop3A_32 = arith.constant 1 : i32
      %parallel_loop3A_33 = vector.broadcast %parallel_loop3A_32 : i32 to vector<16xi32>
      %parallel_loop3A_34 = arith.shrui %parallel_loop3A_26, %parallel_loop3A_33 : vector<16xi32>
      %parallel_loop3A_35 = arith.constant 65535 : i32
      %parallel_loop3A_36 = vector.broadcast %parallel_loop3A_35 : i32 to vector<16xi32>
      %parallel_loop3A_37 = arith.andi %parallel_loop3A_34, %parallel_loop3A_36 : vector<16xi32>
      %parallel_loop3A_38 = arith.index_cast %parallel_loop3A_18 : i32 to index
      %parallel_loop3A_39 = tpu.vector_load %arg12[%parallel_loop3A_38] {strides = array<i32>} : memref<8192xf32, #tpu.memory_space<vmem>>, vector<16xf32>,
      %parallel_loop3A_40 = arith.constant 0.000000e+00 : f32
      %parallel_loop3A_41 = vector.broadcast %parallel_loop3A_40 : f32 to vector<16xf32>
      %parallel_loop3A_42 = arith.cmpf ogt, %parallel_loop3A_39, %parallel_loop3A_41 : vector<16xf32>
      %parallel_loop3A_43 = arith.andi %parallel_loop3A_31, %parallel_loop3A_42 : vector<16xi1>
      %parallel_loop3A_44 = arith.constant 1 : i32
      %parallel_loop3A_45 = vector.broadcast %parallel_loop3A_44 : i32 to vector<16xi32>
      %parallel_loop3A_46 = arith.andi %parallel_loop3A_26, %parallel_loop3A_45 : vector<16xi32>
      %parallel_loop3A_47 = arith.constant 4 : i32
      %parallel_loop3A_48 = vector.broadcast %parallel_loop3A_47 : i32 to vector<16xi32>
      %parallel_loop3A_49 = arith.shli %parallel_loop3A_46, %parallel_loop3A_48 : vector<16xi32>
      %parallel_loop3A_50 = arith.shli %broadcast_in_dim3A_3, %parallel_loop3A_49 : vector<16xi32>
      tpu.vector_store_idx %arg13[%parallel_loop3A_37], %parallel_loop3A_50 masked %parallel_loop3A_43 {add = true} : memref<65536xi32, #tpu.memory_space<vmem>>[vector<16xi32>], vector<16xi32>, vector<16xi1>
    } {sc.loop_unroll_factor = 8 : i64, sc.parallel_access}
    %broadcast_in_dim3A_9 = arith.constant 0.000000e+00 : f32
    %broadcast_in_dim3A_10 = vector.broadcast %broadcast_in_dim3A_9 : f32 to vector<16xf32>
    %parallel_loop3A_11 = arith.constant 0 : i32
    %parallel_loop3A_12 = arith.constant 4096 : i32
    %parallel_loop3A_13 = arith.constant 16 : i32
    %parallel_loop3A_14 = scf.for %parallel_loop3A_18 = %parallel_loop3A_11 to %parallel_loop3A_12 step %parallel_loop3A_13 iter_args(%parallel_loop3A_19 = %broadcast_in_dim3A_10) -> (vector<16xf32>)  : i32 {
      %parallel_loop3A_20 = arith.index_cast %parallel_loop3A_18 : i32 to index
      %parallel_loop3A_21 = tpu.vector_load %arg8[%parallel_loop3A_20] {strides = array<i32>} : memref<4096xi32, #tpu.memory_space<vmem>>, vector<16xi32>,
      %parallel_loop3A_22 = arith.index_cast %parallel_loop3A_18 : i32 to index
      %parallel_loop3A_23 = tpu.vector_load %arg9[%parallel_loop3A_22] {strides = array<i32>} : memref<4096xi32, #tpu.memory_space<vmem>>, vector<16xi32>,
      %parallel_loop3A_24 = arith.constant 2048 : i32
      %parallel_loop3A_25 = vector.broadcast %parallel_loop3A_24 : i32 to vector<16xi32>
      %parallel_loop3A_26 = arith.muli %parallel_loop3A_21, %parallel_loop3A_25 : vector<16xi32>
      %parallel_loop3A_27 = arith.addi %parallel_loop3A_26, %parallel_loop3A_23 : vector<16xi32>
      %parallel_loop3A_28 = arith.constant 17 : i32
      %parallel_loop3A_29 = vector.broadcast %parallel_loop3A_28 : i32 to vector<16xi32>
      %parallel_loop3A_30 = arith.shrui %parallel_loop3A_27, %parallel_loop3A_29 : vector<16xi32>
      %parallel_loop3A_31 = vector.broadcast %add3A : i32 to vector<16xi32>
      %parallel_loop3A_32 = arith.cmpi eq, %parallel_loop3A_30, %parallel_loop3A_31 : vector<16xi32>
      %parallel_loop3A_33 = arith.constant 1 : i32
      %parallel_loop3A_34 = vector.broadcast %parallel_loop3A_33 : i32 to vector<16xi32>
      %parallel_loop3A_35 = arith.shrui %parallel_loop3A_27, %parallel_loop3A_34 : vector<16xi32>
      %parallel_loop3A_36 = arith.constant 65535 : i32
      %parallel_loop3A_37 = vector.broadcast %parallel_loop3A_36 : i32 to vector<16xi32>
      %parallel_loop3A_38 = arith.andi %parallel_loop3A_35, %parallel_loop3A_37 : vector<16xi32>
      %parallel_loop3A_39 = tpu.vector_load_idx %arg13[%parallel_loop3A_38] masked %parallel_loop3A_32 : memref<65536xi32, #tpu.memory_space<vmem>>[vector<16xi32>], vector<16xi32>, vector<16xi1>
      %parallel_loop3A_40 = arith.constant 1 : i32
      %parallel_loop3A_41 = vector.broadcast %parallel_loop3A_40 : i32 to vector<16xi32>
      %parallel_loop3A_42 = arith.andi %parallel_loop3A_27, %parallel_loop3A_41 : vector<16xi32>
      %parallel_loop3A_43 = arith.constant 4 : i32
      %parallel_loop3A_44 = vector.broadcast %parallel_loop3A_43 : i32 to vector<16xi32>
      %parallel_loop3A_45 = arith.shli %parallel_loop3A_42, %parallel_loop3A_44 : vector<16xi32>
      %parallel_loop3A_46 = arith.shrui %parallel_loop3A_39, %parallel_loop3A_45 : vector<16xi32>
      %parallel_loop3A_47 = arith.constant 65535 : i32
      %parallel_loop3A_48 = vector.broadcast %parallel_loop3A_47 : i32 to vector<16xi32>
      %parallel_loop3A_49 = arith.andi %parallel_loop3A_46, %parallel_loop3A_48 : vector<16xi32>
      %parallel_loop3A_50 = arith.constant 0 : i32
      %parallel_loop3A_51 = vector.broadcast %parallel_loop3A_50 : i32 to vector<16xi32>
      %parallel_loop3A_52 = arith.cmpi sgt, %parallel_loop3A_49, %parallel_loop3A_51 : vector<16xi32>
      %parallel_loop3A_53 = arith.andi %parallel_loop3A_32, %parallel_loop3A_52 : vector<16xi1>
      %parallel_loop3A_54 = arith.constant 1.000000e+00 : f32
      %parallel_loop3A_55 = arith.constant 0.000000e+00 : f32
      %parallel_loop3A_56 = vector.broadcast %parallel_loop3A_54 : f32 to vector<16xf32>
      %parallel_loop3A_57 = vector.broadcast %parallel_loop3A_55 : f32 to vector<16xf32>
      %parallel_loop3A_58 = arith.select %parallel_loop3A_53, %parallel_loop3A_56, %parallel_loop3A_57 : vector<16xi1>, vector<16xf32>
      %parallel_loop3A_59 = arith.addf %parallel_loop3A_19, %parallel_loop3A_58 : vector<16xf32>
      scf.yield %parallel_loop3A_59 : vector<16xf32>
    } {sc.loop_unroll_factor = 8 : i64, sc.parallel_access}
    %swap3A = arith.constant 0 : index
    %swap3A_15 = tpu.vector_load %arg14[%swap3A] {strides = array<i32>} : memref<16xf32, #tpu.memory_space<vmem>>, vector<16xf32>,
    tpu.vector_store %arg14[%swap3A], %parallel_loop3A_14 {strides = array<i32>} : memref<16xf32, #tpu.memory_space<vmem>>, vector<16xf32>,
    %mul3A_16 = arith.constant 16 : i32
    %mul3A_17 = arith.muli %add3A, %mul3A_16 : i32
    "tpu.region"() ({
      %run_scoped3A = tpu.sem_alloc : memref<!tpu.dma_semaphore, #tpu.memory_space<semaphore_mem>>
      %dma_start3A = tpu.memref_slice %arg7[%mul3A_17] : memref<512xf32, #tpu.memory_space<hbm>> -> memref<16xf32, #tpu.memory_space<hbm>>
      %dma_start3A_18 = tpu.memref_slice %arg7[%mul3A_17] : memref<512xf32, #tpu.memory_space<hbm>> -> memref<16xf32, #tpu.memory_space<hbm>>
      tpu.enqueue_dma source(%arg14 : memref<16xf32, #tpu.memory_space<vmem>>) target(%dma_start3A_18 : memref<16xf32, #tpu.memory_space<hbm>>) target_semaphore(%run_scoped3A : memref<!tpu.dma_semaphore, #tpu.memory_space<semaphore_mem>>)
      %dma_wait3A = tpu.memref_slice %arg7[%mul3A_17] : memref<512xf32, #tpu.memory_space<hbm>> -> memref<16xf32, #tpu.memory_space<hbm>>
      %dma_wait3A_19 = tpu.memref_slice %arg7[%mul3A_17] : memref<512xf32, #tpu.memory_space<hbm>> -> memref<16xf32, #tpu.memory_space<hbm>>
      tpu.wait_dma2 semaphore(%run_scoped3A : memref<!tpu.dma_semaphore, #tpu.memory_space<semaphore_mem>>) src(%arg14 : memref<16xf32, #tpu.memory_space<vmem>>) dst(%dma_wait3A_19 : memref<16xf32, #tpu.memory_space<hbm>>)
      tpu.yield
    }) : () -> ()
    return
  }
}

module attributes {stable_mosaic.version = 14 : i64} {
  func.func @_tc_body(%arg0: memref<3x100000xf32, #tpu.memory_space<vmem>>, %arg1: memref<3x100000xf32, #tpu.memory_space<vmem>>, %arg2: memref<4x128xf32, #tpu.memory_space<vmem>>, %arg3: memref<4x4xf32, #tpu.memory_space<smem>>, %arg4: memref<4x4xf32, #tpu.memory_space<smem>>, %arg5: memref<1x128xf32, #tpu.memory_space<vmem>>) attributes {dimension_semantics = [], scalar_prefetch = 0 : i64, scratch_operands = 0 : i64, tpu.core_type = #tpu.core_type<tc>} {
    %get3A = arith.constant 0 : index
    %get3A_0 = arith.constant 0 : index
    %get3A_1 = vector.load %arg0[%get3A, %get3A_0] : memref<3x100000xf32, #tpu.memory_space<vmem>>, vector<1x100000xf32>
    %get3A_2 = arith.constant 1 : index
    %get3A_3 = arith.constant 0 : index
    %get3A_4 = vector.load %arg0[%get3A_2, %get3A_3] : memref<3x100000xf32, #tpu.memory_space<vmem>>, vector<1x100000xf32>
    %get3A_5 = arith.constant 2 : index
    %get3A_6 = arith.constant 0 : index
    %get3A_7 = vector.load %arg0[%get3A_5, %get3A_6] : memref<3x100000xf32, #tpu.memory_space<vmem>>, vector<1x100000xf32>
    %get3A_8 = arith.constant 0 : index
    %get3A_9 = arith.constant 0 : index
    %get3A_10 = vector.load %arg1[%get3A_8, %get3A_9] : memref<3x100000xf32, #tpu.memory_space<vmem>>, vector<1x100000xf32>
    %get3A_11 = arith.constant 1 : index
    %get3A_12 = arith.constant 0 : index
    %get3A_13 = vector.load %arg1[%get3A_11, %get3A_12] : memref<3x100000xf32, #tpu.memory_space<vmem>>, vector<1x100000xf32>
    %get3A_14 = arith.constant 2 : index
    %get3A_15 = arith.constant 0 : index
    %get3A_16 = vector.load %arg1[%get3A_14, %get3A_15] : memref<3x100000xf32, #tpu.memory_space<vmem>>, vector<1x100000xf32>
    %get3A_17 = arith.constant 0 : index
    %get3A_18 = arith.constant 0 : index
    %get3A_19 = memref.load %arg3[%get3A_17, %get3A_18] : memref<4x4xf32, #tpu.memory_space<smem>>
    %mul3A = vector.broadcast %get3A_19 : f32 to vector<1x100000xf32>
    %mul3A_20 = arith.mulf %mul3A, %get3A_10 : vector<1x100000xf32>
    %get3A_21 = arith.constant 0 : index
    %get3A_22 = arith.constant 1 : index
    %get3A_23 = memref.load %arg3[%get3A_21, %get3A_22] : memref<4x4xf32, #tpu.memory_space<smem>>
    %mul3A_24 = vector.broadcast %get3A_23 : f32 to vector<1x100000xf32>
    %mul3A_25 = arith.mulf %mul3A_24, %get3A_13 : vector<1x100000xf32>
    %add3A = arith.addf %mul3A_20, %mul3A_25 : vector<1x100000xf32>
    %get3A_26 = arith.constant 0 : index
    %get3A_27 = arith.constant 2 : index
    %get3A_28 = memref.load %arg3[%get3A_26, %get3A_27] : memref<4x4xf32, #tpu.memory_space<smem>>
    %mul3A_29 = vector.broadcast %get3A_28 : f32 to vector<1x100000xf32>
    %mul3A_30 = arith.mulf %mul3A_29, %get3A_16 : vector<1x100000xf32>
    %add3A_31 = arith.addf %add3A, %mul3A_30 : vector<1x100000xf32>
    %get3A_32 = arith.constant 0 : index
    %get3A_33 = arith.constant 3 : index
    %get3A_34 = memref.load %arg3[%get3A_32, %get3A_33] : memref<4x4xf32, #tpu.memory_space<smem>>
    %add3A_35 = vector.broadcast %get3A_34 : f32 to vector<1x100000xf32>
    %add3A_36 = arith.addf %add3A_31, %add3A_35 : vector<1x100000xf32>
    %sub3A = arith.subf %get3A_1, %add3A_36 : vector<1x100000xf32>
    %get3A_37 = arith.constant 1 : index
    %get3A_38 = arith.constant 0 : index
    %get3A_39 = memref.load %arg3[%get3A_37, %get3A_38] : memref<4x4xf32, #tpu.memory_space<smem>>
    %mul3A_40 = vector.broadcast %get3A_39 : f32 to vector<1x100000xf32>
    %mul3A_41 = arith.mulf %mul3A_40, %get3A_10 : vector<1x100000xf32>
    %get3A_42 = arith.constant 1 : index
    %get3A_43 = arith.constant 1 : index
    %get3A_44 = memref.load %arg3[%get3A_42, %get3A_43] : memref<4x4xf32, #tpu.memory_space<smem>>
    %mul3A_45 = vector.broadcast %get3A_44 : f32 to vector<1x100000xf32>
    %mul3A_46 = arith.mulf %mul3A_45, %get3A_13 : vector<1x100000xf32>
    %add3A_47 = arith.addf %mul3A_41, %mul3A_46 : vector<1x100000xf32>
    %get3A_48 = arith.constant 1 : index
    %get3A_49 = arith.constant 2 : index
    %get3A_50 = memref.load %arg3[%get3A_48, %get3A_49] : memref<4x4xf32, #tpu.memory_space<smem>>
    %mul3A_51 = vector.broadcast %get3A_50 : f32 to vector<1x100000xf32>
    %mul3A_52 = arith.mulf %mul3A_51, %get3A_16 : vector<1x100000xf32>
    %add3A_53 = arith.addf %add3A_47, %mul3A_52 : vector<1x100000xf32>
    %get3A_54 = arith.constant 1 : index
    %get3A_55 = arith.constant 3 : index
    %get3A_56 = memref.load %arg3[%get3A_54, %get3A_55] : memref<4x4xf32, #tpu.memory_space<smem>>
    %add3A_57 = vector.broadcast %get3A_56 : f32 to vector<1x100000xf32>
    %add3A_58 = arith.addf %add3A_53, %add3A_57 : vector<1x100000xf32>
    %sub3A_59 = arith.subf %get3A_4, %add3A_58 : vector<1x100000xf32>
    %get3A_60 = arith.constant 2 : index
    %get3A_61 = arith.constant 0 : index
    %get3A_62 = memref.load %arg3[%get3A_60, %get3A_61] : memref<4x4xf32, #tpu.memory_space<smem>>
    %mul3A_63 = vector.broadcast %get3A_62 : f32 to vector<1x100000xf32>
    %mul3A_64 = arith.mulf %mul3A_63, %get3A_10 : vector<1x100000xf32>
    %get3A_65 = arith.constant 2 : index
    %get3A_66 = arith.constant 1 : index
    %get3A_67 = memref.load %arg3[%get3A_65, %get3A_66] : memref<4x4xf32, #tpu.memory_space<smem>>
    %mul3A_68 = vector.broadcast %get3A_67 : f32 to vector<1x100000xf32>
    %mul3A_69 = arith.mulf %mul3A_68, %get3A_13 : vector<1x100000xf32>
    %add3A_70 = arith.addf %mul3A_64, %mul3A_69 : vector<1x100000xf32>
    %get3A_71 = arith.constant 2 : index
    %get3A_72 = arith.constant 2 : index
    %get3A_73 = memref.load %arg3[%get3A_71, %get3A_72] : memref<4x4xf32, #tpu.memory_space<smem>>
    %mul3A_74 = vector.broadcast %get3A_73 : f32 to vector<1x100000xf32>
    %mul3A_75 = arith.mulf %mul3A_74, %get3A_16 : vector<1x100000xf32>
    %add3A_76 = arith.addf %add3A_70, %mul3A_75 : vector<1x100000xf32>
    %get3A_77 = arith.constant 2 : index
    %get3A_78 = arith.constant 3 : index
    %get3A_79 = memref.load %arg3[%get3A_77, %get3A_78] : memref<4x4xf32, #tpu.memory_space<smem>>
    %add3A_80 = vector.broadcast %get3A_79 : f32 to vector<1x100000xf32>
    %add3A_81 = arith.addf %add3A_76, %add3A_80 : vector<1x100000xf32>
    %sub3A_82 = arith.subf %get3A_7, %add3A_81 : vector<1x100000xf32>
    %mul3A_83 = arith.mulf %sub3A, %sub3A : vector<1x100000xf32>
    %mul3A_84 = arith.mulf %sub3A_59, %sub3A_59 : vector<1x100000xf32>
    %add3A_85 = arith.addf %mul3A_83, %mul3A_84 : vector<1x100000xf32>
    %mul3A_86 = arith.mulf %sub3A_82, %sub3A_82 : vector<1x100000xf32>
    %add3A_87 = arith.addf %add3A_85, %mul3A_86 : vector<1x100000xf32>
    %lt3A = arith.constant 0.00999999977 : f32
    %lt3A_88 = vector.broadcast %lt3A : f32 to vector<1x100000xf32>
    %lt3A_89 = arith.cmpf olt, %add3A_87, %lt3A_88 : vector<1x100000xf32>
    %jit3A = arith.constant 1.000000e+00 : f32
    %jit3A_90 = arith.constant 0.000000e+00 : f32
    %broadcast_in_dim3A = vector.broadcast %jit3A : f32 to vector<1x100000xf32>
    %broadcast_in_dim3A_91 = vector.broadcast %jit3A_90 : f32 to vector<1x100000xf32>
    %select_n3A = arith.select %lt3A_89, %broadcast_in_dim3A, %broadcast_in_dim3A_91 : vector<1x100000xi1>, vector<1x100000xf32>
    %reduce_sum3A = vector.shape_cast %select_n3A : vector<1x100000xf32> to vector<1x1x100000xf32>
    %reduce_sum3A_92 = arith.constant dense<0.000000e+00> : vector<1xf32>
    %reduce_sum3A_93 = vector.multi_reduction <add>, %reduce_sum3A, %reduce_sum3A_92 [1, 2] : vector<1x1x100000xf32> to vector<1xf32>
    %reduce_sum3A_94 = vector.shape_cast %reduce_sum3A_93 : vector<1xf32> to vector<1x1x1xf32>
    %reduce_sum3A_95 = vector.extract %reduce_sum3A_94[0, 0, 0] : f32 from vector<1x1x1xf32>
    %mul3A_96 = arith.constant 9.99999974E-6 : f32
    %mul3A_97 = arith.mulf %reduce_sum3A_95, %mul3A_96 : f32
    %get3A_98 = arith.constant 0 : index
    %get3A_99 = arith.constant 0 : index
    %get3A_100 = vector.load %arg2[%get3A_98, %get3A_99] : memref<4x128xf32, #tpu.memory_space<vmem>>, vector<4x128xf32>
    %reduce_sum3A_101 = vector.shape_cast %get3A_100 : vector<4x128xf32> to vector<1x4x128xf32>
    %reduce_sum3A_102 = arith.constant dense<0.000000e+00> : vector<1xf32>
    %reduce_sum3A_103 = vector.multi_reduction <add>, %reduce_sum3A_101, %reduce_sum3A_102 [1, 2] : vector<1x4x128xf32> to vector<1xf32>
    %reduce_sum3A_104 = vector.shape_cast %reduce_sum3A_103 : vector<1xf32> to vector<1x1x1xf32>
    %reduce_sum3A_105 = vector.extract %reduce_sum3A_104[0, 0, 0] : f32 from vector<1x1x1xf32>
    %mul3A_106 = arith.constant 2.44140625E-4 : f32
    %mul3A_107 = arith.mulf %reduce_sum3A_105, %mul3A_106 : f32
    %broadcast_in_dim3A_108 = arith.constant 0.000000e+00 : f32
    %broadcast_in_dim3A_109 = vector.broadcast %broadcast_in_dim3A_108 : f32 to vector<1x128xf32>
    %broadcast_in_dim3A_110 = arith.constant 1.000000e+00 : f32
    %broadcast_in_dim3A_111 = vector.broadcast %broadcast_in_dim3A_110 : f32 to vector<1x128xf32>
    %iota3A = tpu.iota {dimensions = array<i32: 1>} : vector<1x128xi32>
    %get3A_112 = arith.constant 0 : index
    %get3A_113 = arith.constant 0 : index
    %get3A_114 = memref.load %arg3[%get3A_112, %get3A_113] : memref<4x4xf32, #tpu.memory_space<smem>>
    %get3A_115 = arith.constant 1 : index
    %get3A_116 = arith.constant 0 : index
    %get3A_117 = memref.load %arg3[%get3A_115, %get3A_116] : memref<4x4xf32, #tpu.memory_space<smem>>
    %get3A_118 = arith.constant 2 : index
    %get3A_119 = arith.constant 0 : index
    %get3A_120 = memref.load %arg3[%get3A_118, %get3A_119] : memref<4x4xf32, #tpu.memory_space<smem>>
    %get3A_121 = arith.constant 2 : index
    %get3A_122 = arith.constant 1 : index
    %get3A_123 = memref.load %arg3[%get3A_121, %get3A_122] : memref<4x4xf32, #tpu.memory_space<smem>>
    %get3A_124 = arith.constant 2 : index
    %get3A_125 = arith.constant 2 : index
    %get3A_126 = memref.load %arg3[%get3A_124, %get3A_125] : memref<4x4xf32, #tpu.memory_space<smem>>
    %mul3A_127 = arith.mulf %get3A_114, %get3A_114 : f32
    %mul3A_128 = arith.mulf %get3A_117, %get3A_117 : f32
    %add3A_129 = arith.addf %mul3A_127, %mul3A_128 : f32
    %sqrt3A = math.sqrt %add3A_129 : f32
    %eq3A = arith.constant 0 : i32
    %eq3A_130 = vector.broadcast %eq3A : i32 to vector<1x128xi32>
    %eq3A_131 = arith.cmpi eq, %iota3A, %eq3A_130 : vector<1x128xi32>
    %broadcast_in_dim3A_132 = vector.broadcast %get3A_123 : f32 to vector<1x128xf32>
    %select_n3A_133 = arith.select %eq3A_131, %broadcast_in_dim3A_132, %broadcast_in_dim3A_109 : vector<1x128xi1>, vector<1x128xf32>
    %eq3A_134 = arith.constant 0 : i32
    %eq3A_135 = vector.broadcast %eq3A_134 : i32 to vector<1x128xi32>
    %eq3A_136 = arith.cmpi eq, %iota3A, %eq3A_135 : vector<1x128xi32>
    %broadcast_in_dim3A_137 = vector.broadcast %get3A_126 : f32 to vector<1x128xf32>
    %select_n3A_138 = arith.select %eq3A_136, %broadcast_in_dim3A_137, %broadcast_in_dim3A_111 : vector<1x128xi1>, vector<1x128xf32>
    %eq3A_139 = arith.constant 1 : i32
    %eq3A_140 = vector.broadcast %eq3A_139 : i32 to vector<1x128xi32>
    %eq3A_141 = arith.cmpi eq, %iota3A, %eq3A_140 : vector<1x128xi32>
    %neg3A = arith.constant 0.000000e+00 : f32
    %neg3A_142 = arith.subf %neg3A, %get3A_120 : f32
    %broadcast_in_dim3A_143 = vector.broadcast %neg3A_142 : f32 to vector<1x128xf32>
    %select_n3A_144 = arith.select %eq3A_141, %broadcast_in_dim3A_143, %select_n3A_133 : vector<1x128xi1>, vector<1x128xf32>
    %eq3A_145 = arith.constant 1 : i32
    %eq3A_146 = vector.broadcast %eq3A_145 : i32 to vector<1x128xi32>
    %eq3A_147 = arith.cmpi eq, %iota3A, %eq3A_146 : vector<1x128xi32>
    %broadcast_in_dim3A_148 = vector.broadcast %sqrt3A : f32 to vector<1x128xf32>
    %select_n3A_149 = arith.select %eq3A_147, %broadcast_in_dim3A_148, %select_n3A_138 : vector<1x128xi1>, vector<1x128xf32>
    %eq3A_150 = arith.constant 2 : i32
    %eq3A_151 = vector.broadcast %eq3A_150 : i32 to vector<1x128xi32>
    %eq3A_152 = arith.cmpi eq, %iota3A, %eq3A_151 : vector<1x128xi32>
    %broadcast_in_dim3A_153 = vector.broadcast %get3A_117 : f32 to vector<1x128xf32>
    %select_n3A_154 = arith.select %eq3A_152, %broadcast_in_dim3A_153, %select_n3A_144 : vector<1x128xi1>, vector<1x128xf32>
    %eq3A_155 = arith.constant 2 : i32
    %eq3A_156 = vector.broadcast %eq3A_155 : i32 to vector<1x128xi32>
    %eq3A_157 = arith.cmpi eq, %iota3A, %eq3A_156 : vector<1x128xi32>
    %broadcast_in_dim3A_158 = vector.broadcast %get3A_114 : f32 to vector<1x128xf32>
    %select_n3A_159 = arith.select %eq3A_157, %broadcast_in_dim3A_158, %select_n3A_149 : vector<1x128xi1>, vector<1x128xf32>
    %get3A_160 = arith.constant 0 : index
    %get3A_161 = arith.constant 0 : index
    %get3A_162 = memref.load %arg4[%get3A_160, %get3A_161] : memref<4x4xf32, #tpu.memory_space<smem>>
    %get3A_163 = arith.constant 1 : index
    %get3A_164 = arith.constant 0 : index
    %get3A_165 = memref.load %arg4[%get3A_163, %get3A_164] : memref<4x4xf32, #tpu.memory_space<smem>>
    %get3A_166 = arith.constant 2 : index
    %get3A_167 = arith.constant 0 : index
    %get3A_168 = memref.load %arg4[%get3A_166, %get3A_167] : memref<4x4xf32, #tpu.memory_space<smem>>
    %get3A_169 = arith.constant 2 : index
    %get3A_170 = arith.constant 1 : index
    %get3A_171 = memref.load %arg4[%get3A_169, %get3A_170] : memref<4x4xf32, #tpu.memory_space<smem>>
    %get3A_172 = arith.constant 2 : index
    %get3A_173 = arith.constant 2 : index
    %get3A_174 = memref.load %arg4[%get3A_172, %get3A_173] : memref<4x4xf32, #tpu.memory_space<smem>>
    %mul3A_175 = arith.mulf %get3A_162, %get3A_162 : f32
    %mul3A_176 = arith.mulf %get3A_165, %get3A_165 : f32
    %add3A_177 = arith.addf %mul3A_175, %mul3A_176 : f32
    %sqrt3A_178 = math.sqrt %add3A_177 : f32
    %eq3A_179 = arith.constant 3 : i32
    %eq3A_180 = vector.broadcast %eq3A_179 : i32 to vector<1x128xi32>
    %eq3A_181 = arith.cmpi eq, %iota3A, %eq3A_180 : vector<1x128xi32>
    %broadcast_in_dim3A_182 = vector.broadcast %get3A_171 : f32 to vector<1x128xf32>
    %select_n3A_183 = arith.select %eq3A_181, %broadcast_in_dim3A_182, %select_n3A_154 : vector<1x128xi1>, vector<1x128xf32>
    %eq3A_184 = arith.constant 3 : i32
    %eq3A_185 = vector.broadcast %eq3A_184 : i32 to vector<1x128xi32>
    %eq3A_186 = arith.cmpi eq, %iota3A, %eq3A_185 : vector<1x128xi32>
    %broadcast_in_dim3A_187 = vector.broadcast %get3A_174 : f32 to vector<1x128xf32>
    %select_n3A_188 = arith.select %eq3A_186, %broadcast_in_dim3A_187, %select_n3A_159 : vector<1x128xi1>, vector<1x128xf32>
    %eq3A_189 = arith.constant 4 : i32
    %eq3A_190 = vector.broadcast %eq3A_189 : i32 to vector<1x128xi32>
    %eq3A_191 = arith.cmpi eq, %iota3A, %eq3A_190 : vector<1x128xi32>
    %neg3A_192 = arith.constant 0.000000e+00 : f32
    %neg3A_193 = arith.subf %neg3A_192, %get3A_168 : f32
    %broadcast_in_dim3A_194 = vector.broadcast %neg3A_193 : f32 to vector<1x128xf32>
    %select_n3A_195 = arith.select %eq3A_191, %broadcast_in_dim3A_194, %select_n3A_183 : vector<1x128xi1>, vector<1x128xf32>
    %eq3A_196 = arith.constant 4 : i32
    %eq3A_197 = vector.broadcast %eq3A_196 : i32 to vector<1x128xi32>
    %eq3A_198 = arith.cmpi eq, %iota3A, %eq3A_197 : vector<1x128xi32>
    %broadcast_in_dim3A_199 = vector.broadcast %sqrt3A_178 : f32 to vector<1x128xf32>
    %select_n3A_200 = arith.select %eq3A_198, %broadcast_in_dim3A_199, %select_n3A_188 : vector<1x128xi1>, vector<1x128xf32>
    %eq3A_201 = arith.constant 5 : i32
    %eq3A_202 = vector.broadcast %eq3A_201 : i32 to vector<1x128xi32>
    %eq3A_203 = arith.cmpi eq, %iota3A, %eq3A_202 : vector<1x128xi32>
    %broadcast_in_dim3A_204 = vector.broadcast %get3A_165 : f32 to vector<1x128xf32>
    %select_n3A_205 = arith.select %eq3A_203, %broadcast_in_dim3A_204, %select_n3A_195 : vector<1x128xi1>, vector<1x128xf32>
    %eq3A_206 = arith.constant 5 : i32
    %eq3A_207 = vector.broadcast %eq3A_206 : i32 to vector<1x128xi32>
    %eq3A_208 = arith.cmpi eq, %iota3A, %eq3A_207 : vector<1x128xi32>
    %broadcast_in_dim3A_209 = vector.broadcast %get3A_162 : f32 to vector<1x128xf32>
    %select_n3A_210 = arith.select %eq3A_208, %broadcast_in_dim3A_209, %select_n3A_200 : vector<1x128xi1>, vector<1x128xf32>
    %atan23A = math.atan2 %select_n3A_205, %select_n3A_210 : vector<1x128xf32>
    %mul3A_211 = arith.constant 57.2957802 : f32
    %mul3A_212 = vector.broadcast %mul3A_211 : f32 to vector<1x128xf32>
    %mul3A_213 = arith.mulf %atan23A, %mul3A_212 : vector<1x128xf32>
    %iota3A_214 = tpu.iota {dimensions = array<i32: 1>} : vector<1x128xi32>
    %lt3A_215 = arith.constant 3 : i32
    %lt3A_216 = vector.broadcast %lt3A_215 : i32 to vector<1x128xi32>
    %lt3A_217 = arith.cmpi slt, %iota3A_214, %lt3A_216 : vector<1x128xi32>
    %slice3A = vector.extract_strided_slice %mul3A_213 {offsets = [0, 3], sizes = [1, 125], strides = [1, 1]} : vector<1x128xf32> to vector<1x125xf32>
    %slice3A_218 = vector.extract_strided_slice %mul3A_213 {offsets = [0, 0], sizes = [1, 3], strides = [1, 1]} : vector<1x128xf32> to vector<1x3xf32>
    %concatenate3A = tpu.concatenate %slice3A, %slice3A_218 in 1 : vector<1x125xf32>, vector<1x3xf32> -> vector<1x128xf32>
    %jit3A_219 = arith.constant 0.000000e+00 : f32
    %broadcast_in_dim3A_220 = vector.broadcast %jit3A_219 : f32 to vector<1x128xf32>
    %select_n3A_221 = arith.select %lt3A_217, %concatenate3A, %broadcast_in_dim3A_220 : vector<1x128xi1>, vector<1x128xf32>
    %lt3A_222 = arith.constant 3 : i32
    %lt3A_223 = vector.broadcast %lt3A_222 : i32 to vector<1x128xi32>
    %lt3A_224 = arith.cmpi slt, %iota3A_214, %lt3A_223 : vector<1x128xi32>
    %sub3A_225 = arith.subf %mul3A_213, %select_n3A_221 : vector<1x128xf32>
    %jit3A_226 = arith.constant 0.000000e+00 : f32
    %broadcast_in_dim3A_227 = vector.broadcast %jit3A_226 : f32 to vector<1x128xf32>
    %select_n3A_228 = arith.select %lt3A_224, %sub3A_225, %broadcast_in_dim3A_227 : vector<1x128xi1>, vector<1x128xf32>
    %mul3A_229 = arith.mulf %select_n3A_228, %select_n3A_228 : vector<1x128xf32>
    %reduce_sum3A_230 = vector.shape_cast %mul3A_229 : vector<1x128xf32> to vector<1x1x128xf32>
    %reduce_sum3A_231 = arith.constant dense<0.000000e+00> : vector<1xf32>
    %reduce_sum3A_232 = vector.multi_reduction <add>, %reduce_sum3A_230, %reduce_sum3A_231 [1, 2] : vector<1x1x128xf32> to vector<1xf32>
    %reduce_sum3A_233 = vector.shape_cast %reduce_sum3A_232 : vector<1xf32> to vector<1x1x1xf32>
    %reduce_sum3A_234 = vector.extract %reduce_sum3A_233[0, 0, 0] : f32 from vector<1x1x1xf32>
    %mul3A_235 = arith.constant 0.333333343 : f32
    %mul3A_236 = arith.mulf %reduce_sum3A_234, %mul3A_235 : f32
    %abs3A = math.absf %select_n3A_228 : vector<1x128xf32>
    %reduce_sum3A_237 = vector.shape_cast %abs3A : vector<1x128xf32> to vector<1x1x128xf32>
    %reduce_sum3A_238 = arith.constant dense<0.000000e+00> : vector<1xf32>
    %reduce_sum3A_239 = vector.multi_reduction <add>, %reduce_sum3A_237, %reduce_sum3A_238 [1, 2] : vector<1x1x128xf32> to vector<1xf32>
    %reduce_sum3A_240 = vector.shape_cast %reduce_sum3A_239 : vector<1xf32> to vector<1x1x1xf32>
    %reduce_sum3A_241 = vector.extract %reduce_sum3A_240[0, 0, 0] : f32 from vector<1x1x1xf32>
    %mul3A_242 = arith.constant 0.333333343 : f32
    %mul3A_243 = arith.mulf %reduce_sum3A_241, %mul3A_242 : f32
    %get3A_244 = arith.constant 0 : index
    %get3A_245 = arith.constant 3 : index
    %get3A_246 = memref.load %arg3[%get3A_244, %get3A_245] : memref<4x4xf32, #tpu.memory_space<smem>>
    %get3A_247 = arith.constant 0 : index
    %get3A_248 = arith.constant 3 : index
    %get3A_249 = memref.load %arg4[%get3A_247, %get3A_248] : memref<4x4xf32, #tpu.memory_space<smem>>
    %sub3A_250 = arith.subf %get3A_246, %get3A_249 : f32
    %get3A_251 = arith.constant 1 : index
    %get3A_252 = arith.constant 3 : index
    %get3A_253 = memref.load %arg3[%get3A_251, %get3A_252] : memref<4x4xf32, #tpu.memory_space<smem>>
    %get3A_254 = arith.constant 1 : index
    %get3A_255 = arith.constant 3 : index
    %get3A_256 = memref.load %arg4[%get3A_254, %get3A_255] : memref<4x4xf32, #tpu.memory_space<smem>>
    %sub3A_257 = arith.subf %get3A_253, %get3A_256 : f32
    %get3A_258 = arith.constant 2 : index
    %get3A_259 = arith.constant 3 : index
    %get3A_260 = memref.load %arg3[%get3A_258, %get3A_259] : memref<4x4xf32, #tpu.memory_space<smem>>
    %get3A_261 = arith.constant 2 : index
    %get3A_262 = arith.constant 3 : index
    %get3A_263 = memref.load %arg4[%get3A_261, %get3A_262] : memref<4x4xf32, #tpu.memory_space<smem>>
    %sub3A_264 = arith.subf %get3A_260, %get3A_263 : f32
    %mul3A_265 = arith.mulf %sub3A_250, %sub3A_250 : f32
    %mul3A_266 = arith.mulf %sub3A_257, %sub3A_257 : f32
    %add3A_267 = arith.addf %mul3A_265, %mul3A_266 : f32
    %mul3A_268 = arith.mulf %sub3A_264, %sub3A_264 : f32
    %add3A_269 = arith.addf %add3A_267, %mul3A_268 : f32
    %mul3A_270 = arith.constant 0.333333343 : f32
    %mul3A_271 = arith.mulf %add3A_269, %mul3A_270 : f32
    %abs3A_272 = math.absf %sub3A_250 : f32
    %abs3A_273 = math.absf %sub3A_257 : f32
    %add3A_274 = arith.addf %abs3A_272, %abs3A_273 : f32
    %abs3A_275 = math.absf %sub3A_264 : f32
    %add3A_276 = arith.addf %add3A_274, %abs3A_275 : f32
    %mul3A_277 = arith.constant 0.333333343 : f32
    %mul3A_278 = arith.mulf %add3A_276, %mul3A_277 : f32
    %broadcast_in_dim3A_279 = arith.constant 0.000000e+00 : f32
    %broadcast_in_dim3A_280 = vector.broadcast %broadcast_in_dim3A_279 : f32 to vector<1x128xf32>
    %eq3A_281 = arith.constant 0 : i32
    %eq3A_282 = vector.broadcast %eq3A_281 : i32 to vector<1x128xi32>
    %eq3A_283 = arith.cmpi eq, %iota3A_214, %eq3A_282 : vector<1x128xi32>
    %broadcast_in_dim3A_284 = vector.broadcast %mul3A_107 : f32 to vector<1x128xf32>
    %select_n3A_285 = arith.select %eq3A_283, %broadcast_in_dim3A_284, %broadcast_in_dim3A_280 : vector<1x128xi1>, vector<1x128xf32>
    %eq3A_286 = arith.constant 1 : i32
    %eq3A_287 = vector.broadcast %eq3A_286 : i32 to vector<1x128xi32>
    %eq3A_288 = arith.cmpi eq, %iota3A_214, %eq3A_287 : vector<1x128xi32>
    %broadcast_in_dim3A_289 = vector.broadcast %mul3A_97 : f32 to vector<1x128xf32>
    %select_n3A_290 = arith.select %eq3A_288, %broadcast_in_dim3A_289, %select_n3A_285 : vector<1x128xi1>, vector<1x128xf32>
    %eq3A_291 = arith.constant 2 : i32
    %eq3A_292 = vector.broadcast %eq3A_291 : i32 to vector<1x128xi32>
    %eq3A_293 = arith.cmpi eq, %iota3A_214, %eq3A_292 : vector<1x128xi32>
    %broadcast_in_dim3A_294 = vector.broadcast %mul3A_236 : f32 to vector<1x128xf32>
    %select_n3A_295 = arith.select %eq3A_293, %broadcast_in_dim3A_294, %select_n3A_290 : vector<1x128xi1>, vector<1x128xf32>
    %eq3A_296 = arith.constant 3 : i32
    %eq3A_297 = vector.broadcast %eq3A_296 : i32 to vector<1x128xi32>
    %eq3A_298 = arith.cmpi eq, %iota3A_214, %eq3A_297 : vector<1x128xi32>
    %broadcast_in_dim3A_299 = vector.broadcast %mul3A_243 : f32 to vector<1x128xf32>
    %select_n3A_300 = arith.select %eq3A_298, %broadcast_in_dim3A_299, %select_n3A_295 : vector<1x128xi1>, vector<1x128xf32>
    %eq3A_301 = arith.constant 4 : i32
    %eq3A_302 = vector.broadcast %eq3A_301 : i32 to vector<1x128xi32>
    %eq3A_303 = arith.cmpi eq, %iota3A_214, %eq3A_302 : vector<1x128xi32>
    %broadcast_in_dim3A_304 = vector.broadcast %mul3A_271 : f32 to vector<1x128xf32>
    %select_n3A_305 = arith.select %eq3A_303, %broadcast_in_dim3A_304, %select_n3A_300 : vector<1x128xi1>, vector<1x128xf32>
    %eq3A_306 = arith.constant 5 : i32
    %eq3A_307 = vector.broadcast %eq3A_306 : i32 to vector<1x128xi32>
    %eq3A_308 = arith.cmpi eq, %iota3A_214, %eq3A_307 : vector<1x128xi32>
    %broadcast_in_dim3A_309 = vector.broadcast %mul3A_278 : f32 to vector<1x128xf32>
    %select_n3A_310 = arith.select %eq3A_308, %broadcast_in_dim3A_309, %select_n3A_305 : vector<1x128xi1>, vector<1x128xf32>
    %swap3A = arith.constant 0 : index
    %swap3A_311 = arith.constant 0 : index
    %swap3A_312 = vector.load %arg5[%swap3A, %swap3A_311] : memref<1x128xf32, #tpu.memory_space<vmem>>, vector<1x128xf32>
    tpu.vector_store %arg5[%swap3A, %swap3A_311], %select_n3A_310 {strides = array<i32>} : memref<1x128xf32, #tpu.memory_space<vmem>>, vector<1x128xf32>,
    return
  }
}

</mosaic_0001>

<sc_bundles>
// kernel: kernel.4.cloned.1.call-start
scs
__scs_entry_jumppad:
0x0: {  	(pc) =	sbr.rel $0x88, $3  }
0x1: {  	(tag) =	ssettag $0x0;
	lr =	simm.s32 $0x1  }
0x2: {  	[smem:$0x3F99] =	sst lr;
	_ =	strace $0xD0000000  }
0x3: {  	_ = 	snop  }
0x4: {  	_ = 	snop  }
0x5: {  	_ = 	snop  }
0x6: {  	_ = 	snop  }
0x7: {  	_ = 	snop  }
__scs_overlays_trampoline_lowered:
0x8: {  	[smem:$0x3FA8] =	sst s0  }
0x9: {  	[smem:$0x3FA9] =	sst s1  }
0xa: {  	[smem:$0x3FAA] =	sst s2  }
0xb: {  	[smem:$0x3FAB] =	sst s3  }
0xc: {  	[smem:$0x3FAC] =	sst s4  }
0xd: {  	[smem:$0x3FAD] =	sst s5  }
0xe: {  	[smem:$0x3FAE] =	sst s6  }
0xf: {  	[smem:$0x3FAF] =	sst s7  }
0x10: {  	[smem:$0x3FB0] =	sst s8  }
0x11: {  	[smem:$0x3FB1] =	sst s9;
	s0 =	simm.s32 @!p0 $0x0  }
0x12: {  	s1 =	sld [smem:$0x3F97];
	s0 =	simm.s32 @p0 $0x1  }
0x13: {  	[smem:$0x3FB2] =	sst s0;
	s0 =	simm.s32 @!p1 $0x0  }
0x14: {  	s2 =	sld [smem:$0x3F96];
	s0 =	simm.s32 @p1 $0x1  }
0x15: {  	[smem:$0x3FB3] =	sst s0;
	s0 =	simm.s32 @!p2 $0x0  }
0x16: {  	s3 =	sld [smem:$0x3FDB];
	s0 =	simm.s32 @p2 $0x1  }
0x17: {  	s4 =	simm.s32 $0x1BF5;
	[smem:$0x3FB5] =	sst s0  }
0x18: {  	s0 =	sld [smem:$0x3F98];
	_ =	swait.ge [sflag:s4], $0x0  }
0x19: {  	s7 =	sld [smem:$0x3F99]  }
0x1a: {  	s8 =	sadd.s32 $0xFFFFE003, lr  }
0x1b: {  	s9 =	sadd.s32 $0xFFFFFEF7, lr;
	s5 =	simm.s32 $0xFFFFFFFF;
	p2 =	slt.u32 s8, $0xFFFFF086  }
0x1c: {  	p1 =	slt.u32 s9, $0xF7A;
	s5 =	simm.s32 @!p2 $0x0  }
0x1d: {  	s5 =	simm.s32 @p1 $0x1;
	p0 =	seq.s32 s7, s2  }
0x1e: {  	s7 =	smul.u32 @!p0 $0xF7A, s2;
	p2 =	seq.s32 @!p0 s5, $0x0  }
0x1f: {  	s9 =	smul.u32 $0xF7A, s1;
	s8 =	simm.s32 @!p0 $0x1BF5;
	p2 =	por !p2, p0  }
0x20: {  	[sflag:s8] =	ssyncset.s32 @!p0 $0xFFFFF086;
	s6 =	sadd.s32 @!p0 s3, s7;
	s7 =	simm.s32 @!p0 $0x108  }
0x21: {  	s3 =	sadd.s32 s3, s9;
	s6 =	sadd.s32 @!p0 $0x88, s6;
	s7 =	simm.s32 @p2 $0x1082  }
0x22: {  	[simem:s7], [sflag:s8] =	dma.local @!p0 [hbm:s6], $0xF7A  }
0x23: {  	s9 =	sor.u32 $0xD0000000, s2;
	s6 =	simm.s32 $0x108;
	_ =	swait.ge @!p0 [sflag:s8], $0x0  }
0x24: {  	s3 =	sadd.s32 $0x88, s3;
	s6 =	simm.s32 @!p1 $0x1082;
	[sflag:s4] =	ssyncset.s32 $0xFFFFF086  }
0x25: {  	[simem:s6], [sflag:s4] =	dma.local [hbm:s3], $0xF7A  }
0x26: {  	[smem:$0x3F99] =	sst s1;
	(tag) =	ssettag s2;
	_ =	strace s9  }
0x27: {  	s1 =	sld [smem:$0x3FA9]  }
0x28: {  	s2 =	sld [smem:$0x3FAA]  }
0x29: {  	s4 =	sld [smem:$0x3FAC]  }
0x2a: {  	p0 =	seq.s32 s5, $0x0;
	s5 =	sld [smem:$0x3FAD]  }
0x2b: {  	s6 =	sld [smem:$0x3FAE]  }
0x2c: {  	s7 =	sld [smem:$0x3FAF]  }
0x2d: {  	s3 =	simm.s32 $0x108;
	s8 =	sld [smem:$0x3FB0]  }
0x2e: {  	s3 =	simm.s32 @!p0 $0x1082;
	s9 =	sld [smem:$0x3FB1]  }
0x2f: {  	lr =	sadd.s32 s0, s3;
	s0 =	sld [smem:$0x3FA8]  }
0x30: {  	s3 =	sld [smem:$0x3FAB]  }
0x31: {  	[smem:$0x3FB4] =	sst s10  }
0x32: {  	s10 =	sld [smem:$0x3FB2];
	_ =	sdelay $0x3  }
0x33: {  	p0 =	seq.s32 s10, $0x1;
	s10 =	sld [smem:$0x3FB4];
	_ =	sdelay $0x3  }
0x34: {  	[smem:$0x3FB4] =	sst s10  }
0x35: {  	s10 =	sld [smem:$0x3FB3];
	_ =	sdelay $0x3  }
0x36: {  	p1 =	seq.s32 s10, $0x1;
	s10 =	sld [smem:$0x3FB4];
	_ =	sdelay $0x3  }
0x37: {  	[smem:$0x3FB4] =	sst s10  }
0x38: {  	s10 =	sld [smem:$0x3FB5]  }
0x39: {  	_ = 	snop;
	(pc) =	sbr.ind lr, $3  }
0x3a: {  	_ = 	snop  }
0x3b: {  	_ = 	snop  }
0x3c: {  	p2 =	seq.s32 s10, $0x1;
	s10 =	sld [smem:$0x3FB4]  }
0x3d: {  	_ =	shalt  }
0x3e: {  	_ =	shalt  }
0x3f: {  	_ =	shalt  }
0x40: {  	_ =	shalt  }
0x41: {  	_ =	shalt  }
0x42: {  	_ =	shalt  }
0x43: {  	_ =	shalt  }
0x44: {  	_ =	shalt  }
0x45: {  	_ =	shalt  }
0x46: {  	_ =	shalt  }
0x47: {  	_ =	shalt  }
0x48: {  	_ =	shalt  }
0x49: {  	_ =	shalt  }
0x4a: {  	_ =	shalt  }
0x4b: {  	_ =	shalt  }
0x4c: {  	_ =	shalt  }
0x4d: {  	_ =	shalt  }
0x4e: {  	_ =	shalt  }
0x4f: {  	_ =	shalt  }
0x50: {  	_ =	shalt  }
0x51: {  	_ =	shalt  }
0x52: {  	_ =	shalt  }
0x53: {  	_ =	shalt  }
0x54: {  	_ =	shalt  }
0x55: {  	_ =	shalt  }
0x56: {  	_ =	shalt  }
0x57: {  	_ =	shalt  }
0x58: {  	_ =	shalt  }
0x59: {  	_ =	shalt  }
0x5a: {  	_ =	shalt  }
0x5b: {  	_ =	shalt  }
0x5c: {  	_ =	shalt  }
0x5d: {  	_ =	shalt  }
0x5e: {  	_ =	shalt  }
0x5f: {  	_ =	shalt  }
0x60: {  	_ =	shalt  }
0x61: {  	_ =	shalt  }
0x62: {  	_ =	shalt  }
0x63: {  	_ =	shalt  }
0x64: {  	_ =	shalt  }
0x65: {  	_ =	shalt  }
0x66: {  	_ =	shalt  }
0x67: {  	_ =	shalt  }
0x68: {  	_ =	shalt  }
0x69: {  	_ =	shalt  }
0x6a: {  	_ =	shalt  }
0x6b: {  	_ =	shalt  }
0x6c: {  	_ =	shalt  }
0x6d: {  	_ =	shalt  }
0x6e: {  	_ =	shalt  }
0x6f: {  	_ =	shalt  }
0x70: {  	_ =	shalt  }
0x71: {  	_ =	shalt  }
0x72: {  	_ =	shalt  }
0x73: {  	_ =	shalt  }
0x74: {  	_ =	shalt  }
0x75: {  	_ =	shalt  }
0x76: {  	_ =	shalt  }
0x77: {  	_ =	shalt  }
0x78: {  	_ =	shalt  }
0x79: {  	_ =	shalt  }
0x7a: {  	_ =	shalt  }
0x7b: {  	_ =	shalt  }
0x7c: {  	_ =	shalt  }
0x7d: {  	_ =	shalt  }
0x7e: {  	_ =	shalt  }
0x7f: {  	_ =	shalt  }
0x80: {  	_ =	shalt  }
0x81: {  	_ =	shalt  }
0x82: {  	_ =	shalt  }
0x83: {  	_ =	shalt  }
0x84: {  	_ =	shalt  }
0x85: {  	_ =	shalt  }
0x86: {  	_ =	shalt  }
0x87: {  	_ =	shalt  }
.Lfunc_end0:
.L_simem_size_0:
called_computation_lowered:
.L_overlay_start_0:
0x88: {  	s2 =	sld [smem:$0x3FD9]  }
0x89: {  	s3 =	sld [smem:$0x3FFE];
	_ =	sdelay $0x1  }
0x8a: {  	s1 =	srdreg.scid  }
0x8b: {  	s0 =	sand.u32 $0x1, s1  }
0x8c: {  	s17 =	sshll.u32 s0, $0xA;
	s2 =	sadd.s32 s3, s2  }
0x8d: {  	s2 =	sadd.s32 s2, s17  }
0x8e: {  	[smem:$0x3FC0] =	sst s2  }
0x8f: {  	_ = 	snop  }
0x90: {  	s2 =	sld [smem:$0x3FC9]  }
0x91: {  	s18 =	sld [smem:$0x3FC7]  }
0x92: {  	s4 =	sld [smem:$0x3FC6];
	(tm) =	ssettm $0x1  }
0x93: {  	s5 =	sld [smem:$0x3FFB];
	_ =	sdelay $0x3  }
0x94: {  	_ =	strace s5  }
0x95: {  	s5 =	sld [smem:$0x3FFC];
	_ =	sdelay $0x3  }
0x96: {  	_ =	strace s5  }
0x97: {  	s5 =	sld [smem:$0x3FFD];
	_ =	sdelay $0x3  }
0x98: {  	_ =	strace s5  }
0x99: {  	_ =	strace $0x8FFFFFFF  }
0x9a: {  	s19 =	sld [smem:$0x3FDB];
	_ =	sdelay $0x1  }
0x9b: {  	s6 =	simm.s32 $_scs_section_size  }
0x9c: {  	s7 =	simm.s32 $_size__tile_overlayer_lowered;
	s8 =	simm.s32 $_tile_overlayer_lowered  }
0x9d: {  	s22 =	simm.s32 $0x1BFF;
	s21 =	sshll.u32 s8, $0x1;
	s5 =	sadd.s32 s6, s19  }
0x9e: {  	s9 =	simm.s32 $0x0;
	s20 =	sshll.u32 s7, $0x1;
	s7 =	sadd.s32 s21, s5  }
0x9f: {  	[timem:s9], [sflag:s22] =	dma.local [hbm:s7], s20  }
0xa0: {  	_ =	swait.ge [sflag:s22], s20  }
0xa1: {  	s6 =	ssub.s32 $0x0, s20;
	[sflag:s22] =	ssyncset.done $0x0  }
0xa2: {  	[sflag:s22] =	ssyncadd.s32 s6;
	_ =	sdelay $0x1  }
0xa3: {  	s23 =	simm.s32 $0x1B8B  }
0xa4: {  	_ =	swait.ge [sflag:s23], $0x1  }
0xa5: {  	[sflag:s23] =	ssyncset.done $0x0  }
0xa6: {  	s25 =	simm.s32 $0x1B8E;
	s24 =	sld [smem:$0x3FFE];
	[sflag:s23] =	ssyncadd.s32 $0xFFFFFFFF  }
0xa7: {  	s26 =	simm.s32 $execute0_lowered;
	[smem:$0x3FD2] =	sst s25  }
0xa8: {  	s7 =	sshll.u32 s26, $0x1;
	_ =	strace $0x80000046;
	[dreg:$0x1] =	wrdreg $0xFFFFFFFF  }
0xa9: {  	s28 =	simm.s32 $_size_execute0_lowered;
	s5 =	sadd.s32 s5, s7;
	[dreg:$0x0] =	wrdreg $0x0  }
0xaa: {  	s7 =	sshll.u32 s28, $0x1;
	[dreg:$0x2] =	wrdreg s5  }
0xab: {  	[dreg:$0x3] =	wrdreg s7  }
0xac: {  	[dreg:$0x4] =	wrdreg $0xC0  }
0xad: {  	_ =	task [dreg:s9], $0x5FFFF  }
0xae: {  	[dreg:$0x1] =	wrdreg $0xFFFFFFFF  }
0xaf: {  	[dreg:$0x0] =	wrdreg $0x60  }
0xb0: {  	[dreg:$0x2] =	wrdreg s18  }
0xb1: {  	[dreg:$0x3] =	wrdreg s4  }
0xb2: {  	[dreg:$0x4] =	wrdreg s24  }
0xb3: {  	[dreg:$0x5] =	wrdreg s2  }
0xb4: {  	[dreg:$0x6] =	wrdreg $0x9  }
0xb5: {  	_ =	task.clear_ibuf [dreg:s9], $0x7FFFF;
	_ =	strace $0x90000046  }
0xb6: {  	s29 =	simm.s32 $0x9;
	_ =	strace $0x80000048  }
0xb7: {  	_ =	swait.ge [sflag:s29], $0x1  }
0xb8: {  	[sflag:s29] =	ssyncadd.s32 $0xFFFFFFFF  }
0xb9: {  	_ =	strace $0x90000048  }
0xba: {  	_ =	sfence  }
0xbb: {  	s30 =	sld [smem:$0x0];
	_ =	sdelay $0x2  }
0xbc: {  	s31 =	sshll.u32 s1, $0xD;
	s1 =	sshrl.u32 s1, $0x2  }
0xbd: {  	s3 =	sand.u32 $0x4000, s31;
	s1 =	sadd.s32 s1, s30  }
0xbe: {  	s0 =	sor.u32 s3, s0;
	s1 =	sshll.u32 s1, $0x11  }
0xbf: {  	s0 =	sor.u32 s1, s0  }
0xc0: {  	s0 =	sadd.s32 $0x8F2B, s0  }
0xc1: {  	[sflag:s0] =	ssyncadd.remote.s32 $0x1  }
0xc2: {  	_ =	sfence.sel $0xFFFF  }
0xc3: {  	[dreg:$0x0] =	wrdreg $0xFFFFFFFF;
	(pc) =	sbr.abs _section_cstart, $3  }
0xc4: {  	[dreg:$0x1] =	wrdreg $0xFFFFFFFF  }
0xc5: {  	_ =	task.clear_ibuf [dreg:s9], $0x2FFFF;
	_ =	strace $0x9FFFFFFF  }
0xc6: {  	(tm) =	ssettm $0x7FFFFFFF  }
0xc7: {  	_ =	shalt  }
tec
execute0_lowered:
.L_overlay_start_1:
0x0: {  	(tag) =	ssettag $0x1  }
0x1: {  	s1 =	rddreg [dreg:$0x0]  }
0x2: {  	s2 =	rddreg [dreg:$0x1]  }
0x3: {  	s8 =	rddreg [dreg:$0x2]  }
0x4: {  	s4 =	rddreg [dreg:$0x3]  }
0x5: {  	s0 =	rddreg [dreg:$0x4];
	s5 =	simm.s32 $0x0  }
0x6: {  	s6 =	srdreg.scid;
	s3 =	stileid.u32;
	s12 =	simm.s32 $0x4000  }
0x7: {  	s13 =	simm.s32 $0x6000;
	s14 =	simm.s32 $0x1;
	s15 =	simm.s32 $0x2  }
0x8: {  	s16 =	simm.s32 $0x8000;
	s18 =	simm.s32 $0x4;
	s19 =	simm.s32 $0x5  }
0x9: {  	s20 =	simm.s32 $0x18000;
	s21 =	simm.s32 $0x6;
	s22 =	simm.s32 $0x0  }
0xa: {  	[smem:$0x7FF] =	sst s5;
	s6 =	sand.u32 $0x1, s6;
	s7 =	sshll.u32 s3, $0x1  }
0xb: {  	s29 =	simm.s32 $0x1040;
	_ =	strace $0x80000047;
	s17 =	sor.u32 s6, s7  }
0xc: {  	s9 =	ssub.s32 $0x2, s6;
	s6 =	sadd.s32 $0x1400, s8;
	s7 =	sadd.s32 $0x1000, s8  }
0xd: {  	s10 =	sshll.u32 s17, $0x1;
	s11 =	sshrl.u32 s9, $0x1;
	v0 =	vmov s17;
	s17 =	simm.s32 $0x3  }
0xe: {  	s8 =	sadd.s32 s10, s8;
	s9 =	ssub.s32 s9, s11;
	s10 =	simm.s32 $0x1000  }
0xf: {  	v1 =	vimm.s32 $0x0;
	v2 =	vimm.s32 $0x1;
	v3 =	vimm.f32 $0.0e+00;
	s11 =	simm.s32 $0x2000;
	s8 =	sadd.s32 $0x1800, s8;
	s9 =	smax.u32 s9, $0x1  }
.LBB2_1:
0x10: {  	[tilespmem:s5], [sflag:$0x1] =	stream.linear.gather [hbm4b:s1+s5], $0x1000, $0x38;
	[tilespmem:$0x18080] =	vst v63  }
0x11: {  	_ = 	snop  }
0x12: {  	[tilespmem:s10], [sflag:$0x2] =	stream.linear.gather [hbm4b:s2+s5], $0x1000, $0x38;
	[tilespmem:$0x18080] =	vst v63  }
0x13: {  	_ = 	snop  }
0x14: {  	[tilespmem:s11], [sflag:$0x3] =	stream.linear.gather [hbm4b:s6+s5], $0x2000, $0x38;
	[tilespmem:$0x18080] =	vst v63  }
0x15: {  	_ = 	snop  }
0x16: {  	[tilespmem:s12], [sflag:$0x4] =	stream.linear.gather [hbm4b:s7+s5], $0x2000, $0x38;
	[tilespmem:$0x18080] =	vst v63  }
0x17: {  	_ = 	snop  }
0x18: {  	[tilespmem:s13], [sflag:$0x5] =	stream.linear.gather [hbm4b:s4+s5], $0x2000, $0x38;
	[tilespmem:$0x18080] =	vst v63  }
0x19: {  	_ =	swait.ge [sflag:s14], $0x1000  }
0x1a: {  	[sflag:s14] =	ssyncset.done $0x0  }
0x1b: {  	[sflag:s14] =	ssyncadd.s32 $0xFFFFF000  }
0x1c: {  	_ =	swait.ge [sflag:s15], $0x1000  }
0x1d: {  	[sflag:s15] =	ssyncset.done $0x0  }
0x1e: {  	s24 =	simm.s32 $0x40;
	[sflag:s15] =	ssyncadd.s32 $0xFFFFF000  }
0x1f: {  	s23 =	simm.s32 $0x1040;
	v4 =	vld [tilespmem:s24+$0x30]  }
0x20: {  	v5 =	vld [tilespmem:s23+$0x30]  }
0x21: {  	v6 =	vld [tilespmem:s24+$0xFFFFFFD0]  }
0x22: {  	v7 =	vld [tilespmem:s24+$0xFFFFFFE0]  }
0x23: {  	v8 =	vld [tilespmem:s24+$0xFFFFFFF0]  }
0x24: {  	v9 =	vld [tilespmem:s24+$0x0]  }
0x25: {  	v10 =	vld [tilespmem:s24+$0x10]  }
0x26: {  	v11 =	vld [tilespmem:s24+$0x20]  }
0x27: {  	v15 =	vld [tilespmem:s23+$0xFFFFFFE0]  }
0x28: {  	v16 =	vld [tilespmem:s23+$0xFFFFFFF0]  }
0x29: {  	v12 =	vld [tilespmem:s24+$0xFFFFFFC0];
	v4 =	vshll.u32 v4, $0xB;
	v6 =	vshll.u32 v6, $0xB;
	v7 =	vshll.u32 v7, $0xB  }
0x2a: {  	v14 =	vld [tilespmem:s23+$0xFFFFFFC0];
	v8 =	vshll.u32 v8, $0xB;
	v9 =	vshll.u32 v9, $0xB;
	v4 =	vadd.s32 v5, v4  }
0x2b: {  	v10 =	vshll.u32 v10, $0xB;
	v17 =	vshll.u32 v11, $0xB;
	v11 =	vld [tilespmem:s23+$0x10];
	v13 =	vshrl.u32 v4, $0x11  }
0x2c: {  	v5 =	vshrl.u32 v5, $0x1;
	v28 =	vadd.s32 v15, v7;
	vm0 =	veq.s32 v13, v0;
	v13 =	vld [tilespmem:s23+$0xFFFFFFD0]  }
0x2d: {  	v8 =	vadd.s32 v16, v8;
	v7 =	vshrl.u32 v16, $0x1;
	v4 =	vshrl.u32 v4, $0x1  }
0x2e: {  	v5 =	vand.u32 $0x7F, v5;
	v29 =	vshrl.u32 v28, $0x1;
	v4 =	vand.u32 $0xFF80, v4  }
0x2f: {  	v30 =	vshrl.u32 v8, $0x1;
	v25 =	vor.u32 v5, v4;
	v4 =	vshll.u32 v12, $0xB;
	v12 =	vld [tilespmem:s23+$0x0]  }
0x30: {  	v18 =	vadd.s32 v14, v4;
	v4 =	vshrl.u32 v14, $0x1;
	v21 =	vadd.s32 v11, v10  }
0x31: {  	v11 =	vshrl.u32 v11, $0x1;
	v26 =	vadd.s32 v13, v6;
	v5 =	vshrl.u32 v13, $0x1;
	v13 =	vld [tilespmem:s23+$0x20]  }
0x32: {  	v10 =	vshrl.u32 v8, $0x11;
	v8 =	vand.u32 $0xFF80, v30;
	v14 =	vshrl.u32 v18, $0x1  }
0x33: {  	v22 =	vshrl.u32 v21, $0x1;
	v18 =	vshrl.u32 v18, $0x11;
	v6 =	vshrl.u32 v15, $0x1  }
0x34: {  	v27 =	vshrl.u32 v26, $0x1;
	v19 =	vadd.s32 v12, v9;
	v9 =	vshrl.u32 v12, $0x1  }
0x35: {  	v16 =	vshrl.u32 v26, $0x11;
	v20 =	vshrl.u32 v19, $0x1;
	v15 =	vand.u32 $0xFF80, v27  }
0x36: {  	v23 =	vadd.s32 v13, v17;
	v12 =	vshrl.u32 v13, $0x1;
	v17 =	vand.u32 $0xFF80, v14  }
0x37: {  	s25 =	simm.s32 $0xC0;
	s24 =	simm.s32 $0x0;
	[tilespmem:v25+s16+$0x0] =	vst.idx.msk vm0, v1;
	v13 =	vshrl.u32 v28, $0x11;
	v14 =	vand.u32 $0xFF80, v29;
	v24 =	vshrl.u32 v23, $0x1  }
.LBB2_2:
0x38: {  	v25 =	vld [tilespmem:s25+$0x30];
	s24 =	sadd.s32 $0x80, s24;
	v19 =	vshrl.u32 v19, $0x11;
	v20 =	vand.u32 $0xFF80, v20;
	v21 =	vshrl.u32 v21, $0x11;
	s23 =	sadd.s32 $0x80, s23  }
0x39: {  	v22 =	vand.u32 $0xFF80, v22;
	v23 =	vshrl.u32 v23, $0x11;
	v24 =	vand.u32 $0xFF80, v24;
	v26 =	vld [tilespmem:s23+$0x30];
	p0 =	slt.u32 s24, $0xF80  }
0x3a: {  	v4 =	vand.u32 $0x7F, v4;
	v5 =	vand.u32 $0x7F, v5;
	v6 =	vand.u32 $0x7F, v6;
	v27 =	vld [tilespmem:s25+$0xFFFFFFD0]  }
0x3b: {  	v7 =	vand.u32 $0x7F, v7;
	v9 =	vand.u32 $0x7F, v9;
	v11 =	vand.u32 $0x7F, v11;
	v28 =	vld [tilespmem:s25+$0xFFFFFFE0]  }
0x3c: {  	vm1 =	veq.s32 v18, v0;
	v12 =	vand.u32 $0x7F, v12;
	v4 =	vor.u32 v4, v17;
	v29 =	vld [tilespmem:s25+$0xFFFFFFF0]  }
0x3d: {  	vm2 =	veq.s32 v16, v0;
	v5 =	vor.u32 v5, v15;
	v17 =	vld [tilespmem:s25+$0x0];
	v18 =	vshll.u32 v25, $0xB  }
0x3e: {  	vm3 =	veq.s32 v13, v0;
	v6 =	vor.u32 v6, v14;
	v15 =	vld [tilespmem:s25+$0x10];
	v16 =	vadd.s32 v26, v18  }
0x3f: {  	v18 =	vshrl.u32 v26, $0x1;
	v13 =	vld [tilespmem:s25+$0x20];
	v14 =	vshrl.u32 v16, $0x11;
	v16 =	vshrl.u32 v16, $0x1  }
0x40: {  	v25 =	vld [tilespmem:s25+$0xFFFFFFC0];
	vm0 =	veq.s32 v14, v0;
	v14 =	vand.u32 $0x7F, v18;
	v16 =	vand.u32 $0xFF80, v16  }
0x41: {  	v26 =	vshll.u32 v27, $0xB;
	v27 =	vshll.u32 v28, $0xB;
	v18 =	vld [tilespmem:s23+$0xFFFFFFC0];
	v14 =	vor.u32 v14, v16  }
0x42: {  	v28 =	vshll.u32 v29, $0xB;
	v16 =	vld [tilespmem:s23+$0xFFFFFFD0];
	v17 =	vshll.u32 v17, $0xB;
	[tilespmem:v4+s16+$0x0] =	vst.idx.msk vm1, v1;
	vm1 =	veq.s32 v10, v0  }
0x43: {  	v7 =	vor.u32 v7, v8;
	v10 =	vld [tilespmem:s23+$0xFFFFFFE0];
	v15 =	vshll.u32 v15, $0xB;
	[tilespmem:v5+s16+$0x0] =	vst.idx.msk vm2, v1;
	vm2 =	veq.s32 v19, v0  }
0x44: {  	v9 =	vor.u32 v9, v20;
	v8 =	vld [tilespmem:s23+$0xFFFFFFF0];
	v13 =	vshll.u32 v13, $0xB;
	[tilespmem:v6+s16+$0x0] =	vst.idx.msk vm3, v1;
	vm3 =	veq.s32 v21, v0  }
0x45: {  	v11 =	vor.u32 v11, v22;
	vm4 =	veq.s32 v23, v0;
	v4 =	vshll.u32 v25, $0xB;
	v20 =	vld [tilespmem:s23+$0x0]  }
0x46: {  	v12 =	vor.u32 v12, v24;
	v25 =	vadd.s32 v18, v4;
	v4 =	vshrl.u32 v18, $0x1;
	v18 =	vld [tilespmem:s23+$0x10];
	[tilespmem:v14+s16+$0x0] =	vst.idx.msk vm0, v1  }
0x47: {  	v14 =	vshrl.u32 v25, $0x1;
	v26 =	vadd.s32 v16, v26;
	v5 =	vshrl.u32 v16, $0x1;
	v16 =	vld [tilespmem:s23+$0x20]  }
0x48: {  	v29 =	vshrl.u32 v26, $0x1;
	v27 =	vadd.s32 v10, v27;
	v6 =	vshrl.u32 v10, $0x1;
	[tilespmem:v7+s16+$0x0] =	vst.idx.msk vm1, v1  }
0x49: {  	v10 =	vshrl.u32 v27, $0x1;
	v28 =	vadd.s32 v8, v28;
	v7 =	vshrl.u32 v8, $0x1;
	[tilespmem:v9+s16+$0x0] =	vst.idx.msk vm2, v1  }
0x4a: {  	v8 =	vshrl.u32 v28, $0x1;
	v19 =	vadd.s32 v20, v17;
	v9 =	vshrl.u32 v20, $0x1;
	[tilespmem:v11+s16+$0x0] =	vst.idx.msk vm3, v1  }
.Ltmp0:
0x4b: {  	v20 =	vshrl.u32 v19, $0x1;
	v21 =	vadd.s32 v18, v15;
	v11 =	vshrl.u32 v18, $0x1;
	[tilespmem:v12+s16+$0x0] =	vst.idx.msk vm4, v1;
	(pc) =	sbr.rel @p0 .LBB2_2-.Ltmp0, $4  }
0x4c: {  	v22 =	vshrl.u32 v21, $0x1;
	v23 =	vadd.s32 v16, v13;
	v12 =	vshrl.u32 v16, $0x1  }
0x4d: {  	v17 =	vand.u32 $0xFF80, v14;
	v18 =	vshrl.u32 v25, $0x11;
	v24 =	vshrl.u32 v23, $0x1  }
0x4e: {  	v15 =	vand.u32 $0xFF80, v29;
	v16 =	vshrl.u32 v26, $0x11;
	v13 =	vshrl.u32 v27, $0x11  }
0x4f: {  	s25 =	sadd.s32 $0x80, s25;
	v14 =	vand.u32 $0xFF80, v10;
	v10 =	vshrl.u32 v28, $0x11;
	v8 =	vand.u32 $0xFF80, v8  }
0x50: {  	v19 =	vshrl.u32 v19, $0x11;
	v20 =	vand.u32 $0xFF80, v20  }
0x51: {  	v21 =	vshrl.u32 v21, $0x11;
	v22 =	vand.u32 $0xFF80, v22;
	v23 =	vshrl.u32 v23, $0x11  }
0x52: {  	v24 =	vand.u32 $0xFF80, v24;
	v4 =	vand.u32 $0x7F, v4;
	vm0 =	veq.s32 v18, v0  }
0x53: {  	v5 =	vand.u32 $0x7F, v5;
	vm1 =	veq.s32 v16, v0;
	v4 =	vor.u32 v4, v17  }
0x54: {  	v6 =	vand.u32 $0x7F, v6;
	vm2 =	veq.s32 v13, v0;
	v5 =	vor.u32 v5, v15  }
0x55: {  	v7 =	vand.u32 $0x7F, v7;
	vm3 =	veq.s32 v10, v0;
	v6 =	vor.u32 v6, v14  }
0x56: {  	v9 =	vand.u32 $0x7F, v9;
	v7 =	vor.u32 v7, v8;
	vm4 =	veq.s32 v19, v0  }
0x57: {  	v8 =	vand.u32 $0x7F, v11;
	v9 =	vor.u32 v9, v20;
	vm5 =	veq.s32 v21, v0  }
0x58: {  	v10 =	vand.u32 $0x7F, v12;
	[tilespmem:v4+s16+$0x0] =	vst.idx.msk vm0, v1;
	v4 =	vor.u32 v8, v22;
	vm0 =	veq.s32 v23, v0  }
0x59: {  	[tilespmem:v5+s16+$0x0] =	vst.idx.msk vm1, v1;
	v5 =	vor.u32 v10, v24  }
0x5a: {  	[tilespmem:v6+s16+$0x0] =	vst.idx.msk vm2, v1  }
0x5b: {  	[tilespmem:v7+s16+$0x0] =	vst.idx.msk vm3, v1  }
0x5c: {  	[tilespmem:v9+s16+$0x0] =	vst.idx.msk vm4, v1  }
0x5d: {  	[tilespmem:v4+s16+$0x0] =	vst.idx.msk vm5, v1  }
0x5e: {  	[tilespmem:v5+s16+$0x0] =	vst.idx.msk vm0, v1  }
0x5f: {  	_ =	swait.ge [sflag:s17], $0x2000  }
0x60: {  	[sflag:s17] =	ssyncset.done $0x0  }
0x61: {  	[sflag:s17] =	ssyncadd.s32 $0xFFFFE000  }
0x62: {  	_ =	swait.ge [sflag:s18], $0x2000  }
0x63: {  	[sflag:s18] =	ssyncset.done $0x0  }
0x64: {  	[sflag:s18] =	ssyncadd.s32 $0xFFFFE000  }
0x65: {  	_ =	swait.ge [sflag:s19], $0x2000  }
0x66: {  	[sflag:s19] =	ssyncset.done $0x0  }
0x67: {  	s23 =	simm.s32 $0x2040;
	[sflag:s19] =	ssyncadd.s32 $0xFFFFE000  }
0x68: {  	s24 =	simm.s32 $0x4040;
	v4 =	vld [tilespmem:s23+$0x30]  }
0x69: {  	v5 =	vld [tilespmem:s24+$0x30]  }
0x6a: {  	s25 =	simm.s32 $0x6040;
	v6 =	vld [tilespmem:s23+$0xFFFFFFD0]  }
0x6b: {  	v7 =	vld [tilespmem:s25+$0x30]  }
0x6c: {  	v8 =	vld [tilespmem:s23+$0xFFFFFFE0]  }
0x6d: {  	v9 =	vld [tilespmem:s23+$0xFFFFFFF0]  }
0x6e: {  	v10 =	vld [tilespmem:s23+$0x0]  }
0x6f: {  	v11 =	vld [tilespmem:s23+$0x10]  }
0x70: {  	v13 =	vld [tilespmem:s23+$0x20]  }
0x71: {  	v14 =	vld [tilespmem:s24+$0xFFFFFFC0]  }
0x72: {  	v15 =	vld [tilespmem:s24+$0xFFFFFFD0]  }
0x73: {  	v16 =	vld [tilespmem:s24+$0xFFFFFFF0]  }
0x74: {  	v17 =	vld [tilespmem:s24+$0x0]  }
0x75: {  	v18 =	vld [tilespmem:s24+$0x10]  }
0x76: {  	v22 =	vld [tilespmem:s24+$0x20]  }
0x77: {  	v33 =	vld [tilespmem:s25+$0xFFFFFFC0]  }
0x78: {  	v37 =	vld [tilespmem:s25+$0xFFFFFFD0];
	v4 =	vshll.u32 v4, $0xB;
	v6 =	vshll.u32 v6, $0xB;
	vm1 =	vgt.f32 v7, $0.0e+00  }
0x79: {  	v40 =	vld [tilespmem:s25+$0xFFFFFFE0];
	v8 =	vshll.u32 v8, $0xB;
	v9 =	vshll.u32 v9, $0xB;
	v10 =	vshll.u32 v10, $0xB  }
0x7a: {  	v11 =	vshll.u32 v11, $0xB;
	v13 =	vshll.u32 v13, $0xB;
	v20 =	vshll.u32 v14, $0x4  }
0x7b: {  	v25 =	vshrl.u32 v15, $0x1;
	v29 =	vshrl.u32 v16, $0x1;
	v31 =	vshrl.u32 v17, $0x1  }
0x7c: {  	v34 =	vshll.u32 v15, $0x4;
	v35 =	vshrl.u32 v18, $0x1;
	v36 =	vshrl.u32 v22, $0x1  }
0x7d: {  	v39 =	vshll.u32 v16, $0x4;
	v41 =	vshll.u32 v18, $0x4;
	vm3 =	vgt.f32 v33, $0.0e+00  }
0x7e: {  	vm4 =	vgt.f32 v37, $0.0e+00;
	vm2 =	vgt.f32 v40, $0.0e+00;
	v4 =	vadd.s32 v5, v4  }
0x7f: {  	v6 =	vadd.s32 v15, v6;
	v9 =	vadd.s32 v16, v9;
	v10 =	vadd.s32 v17, v10  }
0x80: {  	v17 =	vshll.u32 v17, $0x4;
	v12 =	vshrl.u32 v4, $0x11;
	v4 =	vshrl.u32 v4, $0x1  }
0x81: {  	v21 =	vshrl.u32 v6, $0x11;
	v6 =	vshrl.u32 v6, $0x1;
	v24 =	vshrl.u32 v9, $0x11  }
0x82: {  	v9 =	vshrl.u32 v9, $0x1;
	v26 =	vshrl.u32 v10, $0x11;
	v27 =	vshrl.u32 v10, $0x1  }
0x83: {  	v10 =	vadd.s32 v18, v11;
	vm0 =	veq.s32 v12, v0;
	v12 =	vshrl.u32 v5, $0x1  }
0x84: {  	v4 =	vand.u32 $0xFF80, v4;
	v5 =	vshll.u32 v5, $0x4;
	v11 =	vshrl.u32 v10, $0x11  }
0x85: {  	v7 =	vld [tilespmem:s23+$0xFFFFFFC0];
	v30 =	vshrl.u32 v10, $0x1;
	v10 =	vadd.s32 v22, v13;
	vm5 =	veq.s32 v21, v0  }
0x86: {  	vm9 =	veq.s32 v24, v0;
	vm11 =	veq.s32 v26, v0;
	v16 =	vand.u32 $0xFF80, v9  }
0x87: {  	v21 =	vand.u32 $0x7F, v29;
	vm0 =	vmand vm1, vm0;
	v12 =	vand.u32 $0x7F, v12  }
0x88: {  	v24 =	vld [tilespmem:s25+$0x10];
	v5 =	vand.u32 $0x10, v5;
	v13 =	vshrl.u32 v10, $0x11;
	v32 =	vshrl.u32 v10, $0x1  }
0x89: {  	v10 =	vshll.u32 v22, $0x4;
	vm8 =	veq.s32 v11, v0;
	v4 =	vor.u32 v12, v4;
	v12 =	vld [tilespmem:s24+$0xFFFFFFE0]  }
0x8a: {  	v26 =	vld [tilespmem:s25+$0x20];
	v11 =	vand.u32 $0xFF80, v30;
	v7 =	vshll.u32 v7, $0xB;
	v19 =	vshll.u32 v2, v5  }
0x8b: {  	v22 =	vld [tilespmem:s25+$0xFFFFFFF0];
	vm7 =	veq.s32 v13, v0;
	v15 =	vand.u32 $0xFF80, v32;
	v5 =	vadd.s32 v14, v7  }
0x8c: {  	v7 =	vshrl.u32 v14, $0x1;
	v14 =	vshrl.u32 v5, $0x11;
	v5 =	vshrl.u32 v5, $0x1  }
0x8d: {  	vm6 =	veq.s32 v14, v0;
	v18 =	vand.u32 $0xFF80, v5;
	v14 =	vand.u32 $0xFF80, v6  }
0x8e: {  	v5 =	vand.u32 $0x7F, v31;
	vm12 =	vgt.f32 v24, $0.0e+00;
	v8 =	vadd.s32 v12, v8  }
0x8f: {  	vm13 =	vgt.f32 v26, $0.0e+00;
	v24 =	vand.u32 $0x7F, v36;
	v23 =	vshrl.u32 v8, $0x11  }
0x90: {  	v26 =	vand.u32 $0x10, v20;
	vm1 =	vgt.f32 v22, $0.0e+00;
	vm10 =	veq.s32 v23, v0;
	v23 =	vld [tilespmem:s25+$0x0]  }
0x91: {  	v22 =	vand.u32 $0x10, v39;
	v28 =	vshrl.u32 v12, $0x1;
	v38 =	vshll.u32 v12, $0x4  }
0x92: {  	v12 =	vand.u32 $0xFF80, v27;
	[tilespmem:v4+s16+$0x0] =	vst.idx.add.s32.msk vm0, v19;
	v19 =	vand.u32 $0x10, v17;
	v17 =	vand.u32 $0x10, v41  }
0x93: {  	v8 =	vshrl.u32 v8, $0x1;
	v6 =	vand.u32 $0x7F, v28;
	v20 =	vand.u32 $0x10, v38  }
0x94: {  	v13 =	vand.u32 $0xFF80, v8;
	v8 =	vand.u32 $0x7F, v7;
	v7 =	vand.u32 $0x7F, v25  }
0x95: {  	s26 =	simm.s32 $0x0;
	s28 =	simm.s32 $0x20C0;
	v25 =	vand.u32 $0x10, v34;
	vm14 =	vgt.f32 v23, $0.0e+00;
	v23 =	vand.u32 $0x7F, v35  }
.LBB2_4:
0x96: {  	v4 =	vld [tilespmem:s28+$0x30];
	s26 =	sadd.s32 $0x80, s26;
	vm6 =	vmand vm3, vm6;
	vm5 =	vmand vm4, vm5;
	v10 =	vand.u32 $0x10, v10;
	s24 =	sadd.s32 $0x80, s24  }
0x97: {  	vm4 =	vmand vm2, vm10;
	vm3 =	vmand vm1, vm9;
	vm2 =	vmand vm14, vm11;
	v27 =	vld [tilespmem:s24+$0x30];
	p0 =	slt.u32 s26, $0x1F80  }
0x98: {  	v18 =	vor.u32 v8, v18;
	vm1 =	vmand vm12, vm8;
	vm0 =	vmand vm13, vm7;
	s25 =	sadd.s32 $0x80, s25;
	v28 =	vld [tilespmem:s28+$0xFFFFFFD0]  }
0x99: {  	v14 =	vor.u32 v7, v14;
	v9 =	vor.u32 v6, v13;
	v8 =	vor.u32 v21, v16;
	v29 =	vld [tilespmem:s25+$0x30]  }
0x9a: {  	v7 =	vor.u32 v5, v12;
	v6 =	vor.u32 v23, v11;
	v5 =	vor.u32 v24, v15;
	v13 =	vld [tilespmem:s28+$0xFFFFFFE0]  }
0x9b: {  	v12 =	vshll.u32 v2, v26;
	v15 =	vshll.u32 v2, v25;
	v11 =	vld [tilespmem:s28+$0xFFFFFFF0];
	v4 =	vshll.u32 v4, $0xB  }
0x9c: {  	v20 =	vshll.u32 v2, v20;
	v21 =	vshll.u32 v2, v22;
	v16 =	vld [tilespmem:s28+$0x0];
	v4 =	vadd.s32 v27, v4  }
0x9d: {  	v25 =	vshrl.u32 v27, $0x1;
	v22 =	vshll.u32 v28, $0xB;
	v23 =	vld [tilespmem:s28+$0x10];
	v24 =	vshrl.u32 v4, $0x11  }
0x9e: {  	v4 =	vshrl.u32 v4, $0x1;
	v26 =	vld [tilespmem:s28+$0x20];
	vm7 =	veq.s32 v24, v0;
	vm8 =	vgt.f32 v29, $0.0e+00  }
0x9f: {  	v25 =	vand.u32 $0x7F, v25;
	v4 =	vand.u32 $0xFF80, v4;
	v24 =	vld [tilespmem:s28+$0xFFFFFFC0];
	vm7 =	vmand vm8, vm7  }
0xa0: {  	v13 =	vshll.u32 v13, $0xB;
	v25 =	vor.u32 v25, v4;
	v28 =	vld [tilespmem:s24+$0xFFFFFFC0];
	v11 =	vshll.u32 v11, $0xB  }
0xa1: {  	v19 =	vshll.u32 v2, v19;
	v17 =	vshll.u32 v2, v17;
	v29 =	vld [tilespmem:s24+$0xFFFFFFD0];
	v16 =	vshll.u32 v16, $0xB  }
0xa2: {  	v4 =	vshll.u32 v27, $0x4;
	v27 =	vshll.u32 v2, v10;
	v30 =	vld [tilespmem:s24+$0xFFFFFFE0];
	v23 =	vshll.u32 v23, $0xB  }
0xa3: {  	v31 =	vand.u32 $0x10, v4;
	v10 =	vld [tilespmem:s24+$0xFFFFFFF0];
	v26 =	vshll.u32 v26, $0xB  }
0xa4: {  	v4 =	vimm.f32 $0.0e+00;
	v31 =	vshll.u32 v2, v31;
	v24 =	vshll.u32 v24, $0xB;
	v32 =	vld [tilespmem:s24+$0x0]  }
0xa5: {  	s23 =	simm.s32 $0x40;
	v24 =	vadd.s32 v28, v24;
	v33 =	vshrl.u32 v28, $0x1;
	v28 =	vshll.u32 v28, $0x4;
	[tilespmem:v25+s16+$0x0] =	vst.idx.add.s32.msk vm7, v31  }
0xa6: {  	v25 =	vshrl.u32 v24, $0x11;
	v24 =	vshrl.u32 v24, $0x1;
	v22 =	vadd.s32 v29, v22;
	v31 =	vld [tilespmem:s24+$0x10]  }
0xa7: {  	v34 =	vshrl.u32 v22, $0x11;
	v22 =	vshrl.u32 v22, $0x1;
	v13 =	vadd.s32 v30, v13;
	v35 =	vld [tilespmem:s24+$0x20]  }
0xa8: {  	v36 =	vld [tilespmem:s25+$0xFFFFFFC0];
	v37 =	vshrl.u32 v13, $0x11;
	v13 =	vshrl.u32 v13, $0x1;
	v11 =	vadd.s32 v10, v11  }
0xa9: {  	v38 =	vld [tilespmem:s25+$0xFFFFFFD0];
	v39 =	vshrl.u32 v11, $0x11;
	v11 =	vshrl.u32 v11, $0x1;
	v16 =	vadd.s32 v32, v16  }
0xaa: {  	v40 =	vshrl.u32 v29, $0x1;
	v41 =	vld [tilespmem:s25+$0xFFFFFFE0];
	v42 =	vshrl.u32 v16, $0x11;
	v43 =	vshrl.u32 v16, $0x1  }
0xab: {  	v44 =	vshrl.u32 v30, $0x1;
	v45 =	vshrl.u32 v10, $0x1;
	v46 =	vld [tilespmem:s25+$0xFFFFFFF0];
	v16 =	vadd.s32 v31, v23  }
0xac: {  	v23 =	vld [tilespmem:s25+$0x0];
	v47 =	vshrl.u32 v16, $0x11;
	v48 =	vshrl.u32 v16, $0x1;
	v16 =	vadd.s32 v35, v26  }
0xad: {  	v26 =	vshrl.u32 v32, $0x1;
	v49 =	vld [tilespmem:s25+$0x10];
	v50 =	vshrl.u32 v16, $0x11;
	v51 =	vshrl.u32 v16, $0x1  }
0xae: {  	v29 =	vshll.u32 v29, $0x4;
	v52 =	vshrl.u32 v31, $0x1;
	v53 =	vshrl.u32 v35, $0x1;
	v54 =	vld [tilespmem:s25+$0x20]  }
0xaf: {  	v30 =	vshll.u32 v30, $0x4;
	v55 =	vshll.u32 v10, $0x4;
	v32 =	vshll.u32 v32, $0x4;
	[tilespmem:v18+s16+$0x0] =	vst.idx.add.s32.msk vm6, v12  }
0xb0: {  	v31 =	vshll.u32 v31, $0x4;
	v10 =	vshll.u32 v35, $0x4;
	vm6 =	veq.s32 v25, v0;
	[tilespmem:v14+s16+$0x0] =	vst.idx.add.s32.msk vm5, v15  }
0xb1: {  	vm10 =	veq.s32 v37, v0;
	vm9 =	veq.s32 v39, v0;
	vm5 =	veq.s32 v34, v0  }
0xb2: {  	vm11 =	veq.s32 v42, v0;
	vm8 =	veq.s32 v47, v0;
	vm7 =	veq.s32 v50, v0  }
0xb3: {  	v13 =	vand.u32 $0xFF80, v13;
	v18 =	vand.u32 $0xFF80, v24;
	v14 =	vand.u32 $0xFF80, v22;
	[tilespmem:v9+s16+$0x0] =	vst.idx.add.s32.msk vm4, v20  }
0xb4: {  	v16 =	vand.u32 $0xFF80, v11;
	v11 =	vand.u32 $0xFF80, v48;
	v12 =	vand.u32 $0xFF80, v43;
	[tilespmem:v8+s16+$0x0] =	vst.idx.add.s32.msk vm3, v21  }
0xb5: {  	v15 =	vand.u32 $0xFF80, v51;
	vm3 =	vgt.f32 v36, $0.0e+00;
	v8 =	vand.u32 $0x7F, v33;
	[tilespmem:v7+s16+$0x0] =	vst.idx.add.s32.msk vm2, v19  }
0xb6: {  	vm4 =	vgt.f32 v38, $0.0e+00;
	v7 =	vand.u32 $0x7F, v40;
	vm2 =	vgt.f32 v41, $0.0e+00;
	[tilespmem:v6+s16+$0x0] =	vst.idx.add.s32.msk vm1, v17  }
.Ltmp1:
0xb7: {  	v21 =	vand.u32 $0x7F, v45;
	v6 =	vand.u32 $0x7F, v44;
	vm1 =	vgt.f32 v46, $0.0e+00;
	[tilespmem:v5+s16+$0x0] =	vst.idx.add.s32.msk vm0, v27;
	(pc) =	sbr.rel @p0 .LBB2_4-.Ltmp1, $4  }
0xb8: {  	vm14 =	vgt.f32 v23, $0.0e+00;
	vm12 =	vgt.f32 v49, $0.0e+00;
	v5 =	vand.u32 $0x7F, v26  }
0xb9: {  	v24 =	vand.u32 $0x7F, v53;
	v23 =	vand.u32 $0x7F, v52;
	vm13 =	vgt.f32 v54, $0.0e+00  }
0xba: {  	v25 =	vand.u32 $0x10, v29;
	v20 =	vand.u32 $0x10, v30;
	v26 =	vand.u32 $0x10, v28  }
0xbb: {  	s28 =	sadd.s32 $0x80, s28;
	v22 =	vand.u32 $0x10, v55;
	v19 =	vand.u32 $0x10, v32;
	v17 =	vand.u32 $0x10, v31  }
0xbc: {  	vm0 =	vmand vm3, vm6  }
0xbd: {  	vm3 =	vmand vm4, vm5;
	v8 =	vor.u32 v8, v18  }
0xbe: {  	vm2 =	vmand vm2, vm10;
	v7 =	vor.u32 v7, v14  }
0xbf: {  	vm1 =	vmand vm1, vm9;
	v6 =	vor.u32 v6, v13  }
0xc0: {  	vm4 =	vmand vm14, vm11;
	v9 =	vor.u32 v21, v16  }
0xc1: {  	vm5 =	vmand vm12, vm8;
	v5 =	vor.u32 v5, v12;
	v12 =	vshll.u32 v2, v26  }
0xc2: {  	vm6 =	vmand vm13, vm7;
	v11 =	vor.u32 v23, v11;
	v13 =	vshll.u32 v2, v25;
	[tilespmem:v8+s16+$0x0] =	vst.idx.add.s32.msk vm0, v12  }
0xc3: {  	v8 =	vor.u32 v24, v15;
	v12 =	vshll.u32 v2, v20;
	[tilespmem:v7+s16+$0x0] =	vst.idx.add.s32.msk vm3, v13  }
0xc4: {  	v7 =	vshll.u32 v2, v22;
	[tilespmem:v6+s16+$0x0] =	vst.idx.add.s32.msk vm2, v12  }
0xc5: {  	v6 =	vshll.u32 v2, v19;
	[tilespmem:v9+s16+$0x0] =	vst.idx.add.s32.msk vm1, v7  }
0xc6: {  	v7 =	vand.u32 $0x10, v10;
	v9 =	vshll.u32 v2, v17;
	[tilespmem:v5+s16+$0x0] =	vst.idx.add.s32.msk vm4, v6  }
0xc7: {  	v5 =	vshll.u32 v2, v7;
	[tilespmem:v11+s16+$0x0] =	vst.idx.add.s32.msk vm5, v9  }
0xc8: {  	[tilespmem:v8+s16+$0x0] =	vst.idx.add.s32.msk vm6, v5  }
0xc9: {  	v12 =	vld [tilespmem:s29+$0x30]  }
0xca: {  	v5 =	vld [tilespmem:s23+$0x30]  }
0xcb: {  	v13 =	vld [tilespmem:s29+$0x20]  }
0xcc: {  	v6 =	vld [tilespmem:s23+$0x20]  }
0xcd: {  	v14 =	vld [tilespmem:s29+$0x10]  }
0xce: {  	v7 =	vld [tilespmem:s23+$0x10]  }
0xcf: {  	v15 =	vld [tilespmem:s29+$0x0]  }
0xd0: {  	v8 =	vld [tilespmem:s23+$0x0]  }
0xd1: {  	v16 =	vld [tilespmem:s29+$0xFFFFFFF0]  }
0xd2: {  	v17 =	vld [tilespmem:s29+$0xFFFFFFE0]  }
0xd3: {  	v18 =	vld [tilespmem:s29+$0xFFFFFFD0]  }
0xd4: {  	v19 =	vld [tilespmem:s29+$0xFFFFFFC0]  }
0xd5: {  	v9 =	vld [tilespmem:s23+$0xFFFFFFF0];
	v10 =	vshll.u32 v13, $0x4  }
0xd6: {  	v20 =	vld [tilespmem:s23+$0xFFFFFFE0];
	v11 =	vshll.u32 v12, $0x4;
	v46 =	vshll.u32 v15, $0x4;
	v47 =	vshll.u32 v14, $0x4  }
0xd7: {  	v48 =	vld [tilespmem:s23+$0xFFFFFFD0];
	v49 =	vshll.u32 v17, $0x4;
	v50 =	vshll.u32 v16, $0x4;
	v51 =	vshrl.u32 v12, $0x1  }
0xd8: {  	v27 =	vld [tilespmem:s23+$0xFFFFFFC0];
	v28 =	vshll.u32 v18, $0x4;
	v29 =	vshrl.u32 v13, $0x1;
	v30 =	vshll.u32 v5, $0xB  }
0xd9: {  	v31 =	vshll.u32 v19, $0x4;
	v32 =	vshrl.u32 v14, $0x1;
	v33 =	vshll.u32 v6, $0xB  }
0xda: {  	v34 =	vshrl.u32 v16, $0x1;
	v35 =	vshrl.u32 v15, $0x1;
	v36 =	vshll.u32 v7, $0xB  }
0xdb: {  	v37 =	vshrl.u32 v17, $0x1;
	v38 =	vshll.u32 v9, $0xB;
	v39 =	vshll.u32 v8, $0xB  }
0xdc: {  	v40 =	vshrl.u32 v19, $0x1;
	v41 =	vshrl.u32 v18, $0x1;
	v20 =	vshll.u32 v20, $0xB  }
0xdd: {  	v27 =	vshll.u32 v27, $0xB;
	v23 =	vshll.u32 v48, $0xB;
	v5 =	vand.u32 $0x10, v11  }
0xde: {  	v8 =	vand.u32 $0x10, v46;
	v7 =	vand.u32 $0x10, v47;
	v6 =	vand.u32 $0x10, v10  }
0xdf: {  	v10 =	vand.u32 $0x10, v49;
	v9 =	vand.u32 $0x10, v50;
	v11 =	vand.u32 $0x7F, v51  }
0xe0: {  	v52 =	vand.u32 $0x10, v28;
	v53 =	vand.u32 $0x7F, v29;
	v12 =	vadd.s32 v12, v30  }
0xe1: {  	v54 =	vand.u32 $0x10, v31;
	v55 =	vand.u32 $0x7F, v32;
	v13 =	vadd.s32 v13, v33  }
0xe2: {  	v56 =	vand.u32 $0x7F, v34;
	v57 =	vand.u32 $0x7F, v35;
	v14 =	vadd.s32 v14, v36  }
0xe3: {  	v19 =	vadd.s32 v19, v27;
	v58 =	vand.u32 $0x7F, v41;
	v59 =	vand.u32 $0x7F, v37  }
0xe4: {  	v61 =	vand.u32 $0x7F, v40;
	v18 =	vadd.s32 v18, v23;
	v17 =	vadd.s32 v17, v20  }
0xe5: {  	v16 =	vadd.s32 v16, v38;
	v60 =	vshrl.u32 v19, $0x11;
	v19 =	vshrl.u32 v19, $0x1  }
0xe6: {  	v15 =	vadd.s32 v15, v39;
	vm7 =	veq.s32 v60, v0;
	v19 =	vand.u32 $0xFF80, v19  }
0xe7: {  	v23 =	vshrl.u32 v18, $0x11;
	v18 =	vshrl.u32 v18, $0x1;
	v19 =	vor.u32 v61, v19  }
0xe8: {  	v20 =	vshrl.u32 v17, $0x11;
	vm6 =	veq.s32 v23, v0;
	v18 =	vand.u32 $0xFF80, v18  }
0xe9: {  	v17 =	vshrl.u32 v17, $0x1;
	v63 =	vshrl.u32 v12, $0x1;
	v18 =	vor.u32 v58, v18  }
0xea: {  	vm5 =	veq.s32 v20, v0;
	v17 =	vand.u32 $0xFF80, v17;
	v20 =	vshrl.u32 v16, $0x11  }
0xeb: {  	v16 =	vshrl.u32 v16, $0x1;
	v17 =	vor.u32 v59, v17;
	vm2 =	veq.s32 v20, v0  }
0xec: {  	v16 =	vand.u32 $0xFF80, v16;
	v20 =	vshrl.u32 v15, $0x11;
	v15 =	vshrl.u32 v15, $0x1;
	v19 =	vld.idx.msk [tilespmem:v19+s16+$0x0], vm7  }
0xed: {  	v16 =	vor.u32 v56, v16;
	vm3 =	veq.s32 v20, v0;
	v15 =	vand.u32 $0xFF80, v15  }
0xee: {  	v62 =	vor.u32 v57, v15;
	v15 =	vshrl.u32 v14, $0x11;
	v14 =	vshrl.u32 v14, $0x1;
	v18 =	vld.idx.msk [tilespmem:v18+s16+$0x0], vm6  }
0xef: {  	v20 =	vshrl.u32 v12, $0x11;
	vm1 =	veq.s32 v15, v0;
	v14 =	vand.u32 $0xFF80, v14  }
0xf0: {  	v12 =	vshrl.u32 v13, $0x11;
	v13 =	vshrl.u32 v13, $0x1;
	v15 =	vor.u32 v55, v14;
	v14 =	vld.idx.msk [tilespmem:v17+s16+$0x0], vm5  }
0xf1: {  	vm4 =	veq.s32 v12, v0;
	v13 =	vand.u32 $0xFF80, v13;
	v17 =	vshrl.u32 v19, v54  }
0xf2: {  	vm0 =	veq.s32 v20, v0;
	v12 =	vld.idx.msk [tilespmem:v16+s16+$0x0], vm2;
	v16 =	vor.u32 v53, v13;
	v17 =	vand.u32 $0xFFFF, v17  }
0xf3: {  	s24 =	simm.s32 $0x0;
	s25 =	simm.s32 $0x10C0;
	v13 =	vld.idx.msk [tilespmem:v62+s16+$0x0], vm3;
	vm8 =	vne.s32 v17, $0x0;
	v17 =	vshrl.u32 v18, v52;
	v18 =	vand.u32 $0xFF80, v63  }
.LBB2_6:
0xf4: {  	v19 =	vld [tilespmem:s25+$0x30];
	vm7 =	vmand vm7, vm8;
	v17 =	vand.u32 $0xFFFF, v17;
	v11 =	vor.u32 v11, v18  }
0xf5: {  	v10 =	vshrl.u32 v14, v10;
	s23 =	sadd.s32 $0x80, s23;
	v18 =	vsel vm7, $0x3F800000, v3;
	vm7 =	vne.s32 v17, $0x0;
	v14 =	vld.idx.msk [tilespmem:v15+s16+$0x0], vm1  }
0xf6: {  	v10 =	vand.u32 $0xFFFF, v10;
	v15 =	vld [tilespmem:s23+$0x30];
	v4 =	vadd.f32 v18, v4;
	vm6 =	vmand vm6, vm7  }
0xf7: {  	v9 =	vshrl.u32 v12, v9;
	v17 =	vsel vm6, $0x3F800000, v3;
	vm6 =	vne.s32 v10, $0x0;
	v10 =	vld.idx.msk [tilespmem:v16+s16+$0x0], vm4  }
0xf8: {  	v9 =	vand.u32 $0xFFFF, v9;
	v12 =	vld [tilespmem:s25+$0x20];
	v4 =	vadd.f32 v17, v4;
	vm5 =	vmand vm5, vm6  }
0xf9: {  	v8 =	vshrl.u32 v13, v8;
	v16 =	vsel vm5, $0x3F800000, v3;
	vm5 =	vne.s32 v9, $0x0;
	v9 =	vld.idx.msk [tilespmem:v11+s16+$0x0], vm0  }
0xfa: {  	v8 =	vand.u32 $0xFFFF, v8;
	v11 =	vld [tilespmem:s23+$0x20];
	v4 =	vadd.f32 v16, v4;
	vm2 =	vmand vm2, vm5  }
0xfb: {  	v7 =	vshrl.u32 v14, v7;
	v13 =	vld [tilespmem:s25+$0x10];
	v16 =	vsel vm2, $0x3F800000, v3;
	vm2 =	vne.s32 v8, $0x0  }
0xfc: {  	v7 =	vand.u32 $0xFFFF, v7;
	v8 =	vld [tilespmem:s23+$0x10];
	v4 =	vadd.f32 v16, v4;
	vm2 =	vmand vm3, vm2  }
0xfd: {  	v6 =	vshrl.u32 v10, v6;
	v14 =	vld [tilespmem:s25+$0x0];
	v16 =	vsel vm2, $0x3F800000, v3;
	vm2 =	vne.s32 v7, $0x0  }
0xfe: {  	v6 =	vand.u32 $0xFFFF, v6;
	v7 =	vld [tilespmem:s23+$0x0];
	v4 =	vadd.f32 v16, v4;
	vm1 =	vmand vm1, vm2  }
0xff: {  	v5 =	vshrl.u32 v9, v5;
	v16 =	vld [tilespmem:s25+$0xFFFFFFF0];
	v10 =	vsel vm1, $0x3F800000, v3;
	vm1 =	vne.s32 v6, $0x0  }
0x100: {  	v5 =	vand.u32 $0xFFFF, v5;
	v17 =	vld [tilespmem:s25+$0xFFFFFFE0];
	v4 =	vadd.f32 v10, v4;
	vm1 =	vmand vm4, vm1  }
0x101: {  	v18 =	vld [tilespmem:s25+$0xFFFFFFD0];
	v6 =	vsel vm1, $0x3F800000, v3;
	vm1 =	vne.s32 v5, $0x0  }
0x102: {  	v20 =	vld [tilespmem:s25+$0xFFFFFFC0];
	v4 =	vadd.f32 v6, v4;
	vm0 =	vmand vm0, vm1  }
0x103: {  	v9 =	vshll.u32 v19, $0x4;
	v6 =	vshll.u32 v12, $0x4;
	v5 =	vld [tilespmem:s23+$0xFFFFFFF0];
	v10 =	vsel vm0, $0x3F800000, v3  }
0x104: {  	v23 =	vshll.u32 v13, $0x4;
	v22 =	vshll.u32 v14, $0x4;
	v21 =	vld [tilespmem:s23+$0xFFFFFFE0];
	v4 =	vadd.f32 v10, v4  }
0x105: {  	v26 =	vshrl.u32 v19, $0x1;
	v25 =	vshll.u32 v16, $0x4;
	v10 =	vld [tilespmem:s23+$0xFFFFFFD0];
	v24 =	vshll.u32 v17, $0x4  }
0x106: {  	v15 =	vshll.u32 v15, $0xB;
	v29 =	vshrl.u32 v12, $0x1;
	v27 =	vld [tilespmem:s23+$0xFFFFFFC0];
	v28 =	vshll.u32 v18, $0x4  }
0x107: {  	v32 =	vshll.u32 v11, $0xB;
	v31 =	vshrl.u32 v13, $0x1;
	v30 =	vshll.u32 v20, $0x4  }
0x108: {  	v35 =	vshll.u32 v8, $0xB;
	v34 =	vshrl.u32 v14, $0x1;
	v33 =	vshrl.u32 v16, $0x1  }
0x109: {  	v38 =	vshll.u32 v7, $0xB;
	v36 =	vshrl.u32 v17, $0x1;
	v37 =	vshll.u32 v5, $0xB  }
0x10a: {  	v40 =	vshrl.u32 v18, $0x1;
	v39 =	vshrl.u32 v20, $0x1;
	v21 =	vshll.u32 v21, $0xB  }
0x10b: {  	s24 =	sadd.s32 $0x80, s24;
	v5 =	vand.u32 $0x10, v9;
	v41 =	vshll.u32 v10, $0xB;
	v27 =	vshll.u32 v27, $0xB  }
0x10c: {  	p0 =	slt.u32 s24, $0xF80;
	v8 =	vand.u32 $0x10, v22;
	v7 =	vand.u32 $0x10, v23;
	v6 =	vand.u32 $0x10, v6  }
0x10d: {  	v11 =	vand.u32 $0x7F, v26;
	v9 =	vand.u32 $0x10, v25;
	v10 =	vand.u32 $0x10, v24  }
0x10e: {  	v15 =	vadd.s32 v19, v15;
	v23 =	vand.u32 $0x7F, v29;
	v22 =	vand.u32 $0x10, v28  }
0x10f: {  	v12 =	vadd.s32 v12, v32;
	v19 =	vand.u32 $0x10, v30;
	v24 =	vand.u32 $0x7F, v31  }
0x110: {  	v13 =	vadd.s32 v13, v35;
	v26 =	vand.u32 $0x7F, v34;
	v25 =	vand.u32 $0x7F, v33  }
0x111: {  	v28 =	vand.u32 $0x7F, v36;
	v20 =	vadd.s32 v20, v27;
	v27 =	vand.u32 $0x7F, v40  }
0x112: {  	v30 =	vand.u32 $0x7F, v39;
	v29 =	vshrl.u32 v20, $0x11;
	v20 =	vshrl.u32 v20, $0x1  }
0x113: {  	v18 =	vadd.s32 v18, v41;
	vm7 =	veq.s32 v29, v0;
	v20 =	vand.u32 $0xFF80, v20  }
0x114: {  	v29 =	vshrl.u32 v18, $0x11;
	v18 =	vshrl.u32 v18, $0x1;
	v20 =	vor.u32 v30, v20  }
0x115: {  	v17 =	vadd.s32 v17, v21;
	vm6 =	veq.s32 v29, v0;
	v18 =	vand.u32 $0xFF80, v18  }
0x116: {  	v21 =	vshrl.u32 v17, $0x11;
	v17 =	vshrl.u32 v17, $0x1;
	v18 =	vor.u32 v27, v18  }
0x117: {  	v16 =	vadd.s32 v16, v37;
	vm5 =	veq.s32 v21, v0;
	v17 =	vand.u32 $0xFF80, v17  }
0x118: {  	v21 =	vshrl.u32 v16, $0x11;
	v16 =	vshrl.u32 v16, $0x1;
	v17 =	vor.u32 v28, v17  }
0x119: {  	v14 =	vadd.s32 v14, v38;
	vm2 =	veq.s32 v21, v0;
	v16 =	vand.u32 $0xFF80, v16;
	v20 =	vld.idx.msk [tilespmem:v20+s16+$0x0], vm7  }
0x11a: {  	v21 =	vshrl.u32 v14, $0x11;
	v14 =	vshrl.u32 v14, $0x1;
	v16 =	vor.u32 v25, v16  }
0x11b: {  	vm3 =	veq.s32 v21, v0;
	v14 =	vand.u32 $0xFF80, v14;
	v21 =	vshrl.u32 v15, $0x11;
	v18 =	vld.idx.msk [tilespmem:v18+s16+$0x0], vm6  }
0x11c: {  	v25 =	vor.u32 v26, v14;
	v26 =	vshrl.u32 v13, $0x11;
	v13 =	vshrl.u32 v13, $0x1  }
.Ltmp2:
0x11d: {  	vm1 =	veq.s32 v26, v0;
	v13 =	vand.u32 $0xFF80, v13;
	v26 =	vshrl.u32 v15, $0x1;
	v14 =	vld.idx.msk [tilespmem:v17+s16+$0x0], vm5;
	(pc) =	sbr.rel @p0 .LBB2_6-.Ltmp2, $4  }
0x11e: {  	v15 =	vor.u32 v24, v13;
	v13 =	vshrl.u32 v12, $0x11;
	v17 =	vshrl.u32 v12, $0x1  }
0x11f: {  	vm4 =	veq.s32 v13, v0;
	v19 =	vshrl.u32 v20, v19;
	v13 =	vand.u32 $0xFF80, v17;
	v12 =	vld.idx.msk [tilespmem:v16+s16+$0x0], vm2  }
0x120: {  	vm0 =	veq.s32 v21, v0;
	v17 =	vand.u32 $0xFFFF, v19;
	v16 =	vor.u32 v23, v13  }
0x121: {  	s25 =	sadd.s32 $0x80, s25;
	vm8 =	vne.s32 v17, $0x0;
	v17 =	vshrl.u32 v18, v22;
	v18 =	vand.u32 $0xFF80, v26;
	v13 =	vld.idx.msk [tilespmem:v25+s16+$0x0], vm3  }
0x122: {  	_ =	sdelay $0x2  }
0x123: {  	vm7 =	vmand vm7, vm8;
	v17 =	vand.u32 $0xFFFF, v17;
	v11 =	vor.u32 v11, v18  }
0x124: {  	v10 =	vshrl.u32 v14, v10;
	v54 =	vsel vm7, $0x3F800000, v3;
	vm14 =	vne.s32 v17, $0x0  }
0x125: {  	v55 =	vld.idx.msk [tilespmem:v15+s16+$0x0], vm1;
	v10 =	vand.u32 $0xFFFF, v10;
	v4 =	vadd.f32 v54, v4;
	vm6 =	vmand vm6, vm14  }
0x126: {  	vm15 =	vne.s32 v10, $0x0;
	v9 =	vshrl.u32 v12, v9;
	v56 =	vsel vm6, $0x3F800000, v3  }
0x127: {  	v57 =	vld.idx.msk [tilespmem:v16+s16+$0x0], vm4;
	vm5 =	vmand vm5, vm15;
	v9 =	vand.u32 $0xFFFF, v9;
	v4 =	vadd.f32 v56, v4  }
0x128: {  	v58 =	vsel vm5, $0x3F800000, v3;
	vm9 =	vne.s32 v9, $0x0;
	v8 =	vshrl.u32 v13, v8  }
0x129: {  	v59 =	vld.idx.msk [tilespmem:v11+s16+$0x0], vm0;
	vm2 =	vmand vm2, vm9;
	v8 =	vand.u32 $0xFFFF, v8;
	v4 =	vadd.f32 v58, v4  }
0x12a: {  	v7 =	vshrl.u32 v55, v7;
	v60 =	vsel vm2, $0x3F800000, v3;
	vm10 =	vne.s32 v8, $0x0  }
0x12b: {  	v7 =	vand.u32 $0xFFFF, v7;
	vm2 =	vmand vm3, vm10;
	v4 =	vadd.f32 v60, v4  }
0x12c: {  	v6 =	vshrl.u32 v57, v6;
	vm11 =	vne.s32 v7, $0x0;
	v61 =	vsel vm2, $0x3F800000, v3  }
0x12d: {  	v6 =	vand.u32 $0xFFFF, v6;
	vm12 =	vmand vm1, vm11;
	v4 =	vadd.f32 v61, v4  }
0x12e: {  	vm13 =	vne.s32 v6, $0x0;
	v62 =	vsel vm12, $0x3F800000, v3;
	v5 =	vshrl.u32 v59, v5  }
0x12f: {  	vm1 =	vmand vm4, vm13;
	v5 =	vand.u32 $0xFFFF, v5;
	v4 =	vadd.f32 v62, v4  }
0x130: {  	v63 =	vsel vm1, $0x3F800000, v3;
	vm14 =	vne.s32 v5, $0x0  }
0x131: {  	vm15 =	vmand vm0, vm14;
	v4 =	vadd.f32 v63, v4  }
0x132: {  	v5 =	vsel vm15, $0x3F800000, v3  }
0x133: {  	s22 =	sadd.s32 $0x1, s22;
	v4 =	vadd.f32 v5, v4  }
0x134: {  	p0 =	sne.s32 s22, s9  }
.Ltmp3:
0x135: {  	[tilespmem:$0x18000] =	vst v4;
	(pc) =	sbr.rel @p0 .LBB2_1-.Ltmp3, $4  }
0x136: {  	[hbm4b:s8+s5] =	stream.linear.scatter [tilespmem:s20], [sflag:$0x6], $0x10, $0x38;
	[tilespmem:$0x18080] =	vst v63  }
0x137: {  	_ =	swait.ge [sflag:s21], $0x10  }
0x138: {  	[sflag:s21] =	ssyncset.done $0x0  }
0x139: {  	[sflag:s21] =	ssyncadd.s32 $0xFFFFFFF0  }
0x13a: {  	_ =	sfence.sel $0x180000  }
0x13b: {  	[bflag:$0x0] =	sbarrier.arrive $0xFFFF  }
0x13c: {  	p0 =	sne.s32 s3, $0x0;
	_ =	strace $0x90000047  }
0x13d: {  	s0 =	sadd.s32 @!p0 $0x100000, s0;
	[bflag:$0x2] =	sbarrier.arrive $0xFFFF  }
0x13e: {  	[sflag:s0] =	ssyncadd.tile.s32 @!p0 $0x1;
	_ =	shalt  }
.Lfunc_end2:
_tile_overlayer_lowered:
.L_overlay_start_2:
0x13f: {  	(tag) =	ssettag $0x2  }
0x140: {  	s0 =	rddreg [dreg:$0x0];
	s2 =	stileid.u32  }
0x141: {  	s1 =	rddreg [dreg:$0x1];
	p0 =	sne.s32 s2, $0x0  }
0x142: {  	s3 =	rddreg [dreg:$0x2];
	[bflag:$0x3] =	sbarrier.arrive $0xFFFF;
	s2 =	simm.s32 @!p0 $0x1C06  }
0x143: {  	[timem:s3], [sflag:s2] =	dma.local @!p0 [hbm:s0], s1  }
0x144: {  	s0 =	simm.s32 @!p0 $0x6  }
0x145: {  	_ =	swait.ge @!p0 [sflag:s0], s1  }
0x146: {  	s1 =	ssub.s32 @!p0 $0x0, s1;
	[sflag:s0] =	ssyncset.done @!p0 $0x0  }
0x147: {  	[sflag:s0] =	ssyncadd.s32 @!p0 s1  }
0x148: {  	[bflag:$0x3] =	sbarrier.arrive $0xFFFF  }
0x149: {  	_ =	shalt  }

</sc_bundles>
